<compile_context>
chip_gen: v7x
topology: tpu7x:2x2x1
jax: 0.10.2.dev20260603
libtpu: 0.0.44.dev20260713+nightly
codegen_flags: <defaults>
</compile_context>

<pallas_src>
import functools

import jax
import jax.numpy as jnp
from jax import lax
from jax.experimental import pallas as pl
from jax.experimental.pallas import tpu as pltpu
from jax.experimental.pallas import tpu_sc as plsc

B, S = 16, 512
N = B * S
H = 768
GLYPH_DIM = 1728
VOCAB = 23236
P_LOCS = 8
P_VOCAB = 32

NUM_CORES = 2
NUM_SUBCORES = 16
NW = NUM_CORES * NUM_SUBCORES
TPW = N // NW
CHUNK = 64


def _sc_gather_rows(ids, table):
    mesh = plsc.VectorSubcoreMesh(core_axis_name="c", subcore_axis_name="s")

    @functools.partial(
        pl.kernel,
        out_type=jax.ShapeDtypeStruct((N, H), jnp.float32),
        mesh=mesh,
        scratch_types=[
            pltpu.VMEM((2, CHUNK), jnp.int32),
            pltpu.VMEM((2, CHUNK, H), jnp.float32),
            pltpu.SemaphoreType.DMA,
            pltpu.SemaphoreType.DMA,
        ],
    )
    def k(ids_hbm, table_hbm, out_hbm, idx_v, rows_v, sem0, sem1):
        wid = lax.axis_index("s") * NUM_CORES + lax.axis_index("c")
        base = wid * TPW
        nch = TPW // CHUNK
        sems = (sem0, sem1)
        pltpu.sync_copy(ids_hbm.at[pl.ds(base, CHUNK)], idx_v.at[0])
        cps = [pltpu.async_copy(table_hbm.at[idx_v.at[0]], rows_v.at[0],
                                sems[0]), None]
        for c in range(nch):
            b = c & 1
            nb = 1 - b
            if c + 1 < nch:
                off_n = base + (c + 1) * CHUNK
                pltpu.sync_copy(ids_hbm.at[pl.ds(off_n, CHUNK)], idx_v.at[nb])
                cps[nb] = pltpu.async_copy(table_hbm.at[idx_v.at[nb]],
                                           rows_v.at[nb], sems[nb])
            cps[b].wait()
            pltpu.sync_copy(rows_v.at[b], out_hbm.at[pl.ds(base + c * CHUNK,
                                                           CHUNK)])

    return k(ids, table)




GM = 1024
G_STEPS = (VOCAB + GM - 1) // GM


def _pg_body(gt_ref, gw_ref, gb_ref, out_ref):
    dn = (((0,), (0,)), ((), ()))
    x = gt_ref[...].astype(jnp.bfloat16)
    acc = lax.dot_general(x, gw_ref[...], dn,
                          preferred_element_type=jnp.float32)
    out_ref[...] = acc + gb_ref[...]


def _pg_matmul(glyph_table_t, glyph_w_t_bf, glyph_b):
    return pl.pallas_call(
        _pg_body,
        grid=(G_STEPS,),
        in_specs=[
            pl.BlockSpec((GLYPH_DIM, GM), lambda i: (0, i)),
            pl.BlockSpec((GLYPH_DIM, H), lambda i: (0, 0)),
            pl.BlockSpec((1, H), lambda i: (0, 0)),
        ],
        compiler_params=pltpu.CompilerParams(
            dimension_semantics=("arbitrary",),
            fuse_transposed_lhs_in_matmul=False),
        out_specs=pl.BlockSpec((GM, H), lambda i: (i, 0)),
        out_shape=jax.ShapeDtypeStruct((VOCAB, H), jnp.float32),
    )(glyph_table_t, glyph_w_t_bf, glyph_b)


MB = 512
GRID = N // MB


def _tc_body(ids_ref, pt_ref, w0_ref, w1_ref, cb_ref, tt_ref,
             pout_ref, tout_ref):
    f32 = jnp.float32
    dn = (((1,), (1,)), ((), ()))

    p0 = lax.dot_general(pt_ref[...], w0_ref[...], dn,
                         preferred_element_type=f32).astype(jnp.bfloat16)
    p1 = lax.dot_general(pt_ref[...], w1_ref[...], dn,
                         preferred_element_type=f32).astype(jnp.bfloat16)
    ids = ids_ref[...]
    lanes = lax.broadcasted_iota(jnp.int32, (MB, 2 * P_VOCAB), 1)
    base = lanes & (P_VOCAB - 1)
    is_hi = lanes >= P_VOCAB
    p01 = jnp.concatenate([p0, p1], axis=0)
    dn0 = (((1,), (0,)), ((), ()))
    acc = None
    for l in range(P_LOCS - 1):
        sel = jnp.where(is_hi, ids[:, l + 1][:, None], ids[:, l][:, None])
        ohp = (base == sel).astype(jnp.bfloat16)
        e = lax.dot_general(ohp, p01, dn0, preferred_element_type=f32)
        acc = e if acc is None else jnp.maximum(acc, e)
    pout_ref[...] = acc + cb_ref[...]

    tout_ref[...] = jnp.broadcast_to(tt_ref[0:1, :], (MB, H))


def _tc_fused(pids, ptab_bf, w0_bf, w1_bf, conv_b, type_table):
    f32 = jnp.float32
    return pl.pallas_call(
        _tc_body,
        grid=(GRID,),
        in_specs=[
            pl.BlockSpec((MB, P_LOCS), lambda i: (i, 0)),
            pl.BlockSpec((P_VOCAB, 128), lambda i: (0, 0)),
            pl.BlockSpec((H, 128), lambda i: (0, 0)),
            pl.BlockSpec((H, 128), lambda i: (0, 0)),
            pl.BlockSpec((1, H), lambda i: (0, 0)),
            pl.BlockSpec((2, H), lambda i: (0, 0)),
        ],
        out_specs=[
            pl.BlockSpec((MB, H), lambda i: (i, 0)),
            pl.BlockSpec((MB, H), lambda i: (i, 0)),
        ],
        out_shape=[
            jax.ShapeDtypeStruct((N, H), f32),
            jax.ShapeDtypeStruct((N, H), f32),
        ],
    )(pids, ptab_bf, w0_bf, w1_bf, conv_b, type_table)


def kernel(input_ids, pinyin_ids, word_table, pinyin_char_table, conv_w,
           conv_b, glyph_table, glyph_w, glyph_b, pos_table, type_table):
    ids = input_ids.reshape(N).astype(jnp.int32)
    bf = jnp.bfloat16

    word_emb = _sc_gather_rows(ids, word_table)
    pg = _pg_matmul(glyph_table.T, glyph_w.T.astype(bf),
                    glyph_b.reshape(1, H))
    glyph_emb = _sc_gather_rows(ids, pg)

    pids = pinyin_ids.reshape(N, P_LOCS).astype(jnp.int32)
    pinyin_emb, type_emb = _tc_fused(
        pids,
        pinyin_char_table.astype(bf),
        conv_w[:, :, 0].astype(bf),
        conv_w[:, :, 1].astype(bf),
        conv_b.reshape(1, H),
        type_table,
    )

    return (
        word_emb.reshape(B, S, H),
        pinyin_emb.reshape(B, S, H),
        glyph_emb.reshape(B, S, H),
        pos_table.reshape(1, S, H),
        type_emb.reshape(B, S, H),
    )

# --- scband reference (transcript-rebuilt; emitter-appended) ---
"""Pipeline reference for scband-multi-modal-encoder-39187281608925 (READ-ONLY COPY).

The authoritative reference and input builder live on the scoring server;
editing this copy changes nothing except your own understanding.
"""

import jax, jax.numpy as jnp
import numpy as np

B, S = 16, 512
VOCAB = 23236
H = 768
PINYIN_LOCS = 8
PINYIN_VOCAB = 32
PINYIN_EMB = 128
GLYPH_DIM = 1728
MAX_POS = 512
TYPE_VOCAB = 2


def setup_inputs(seed: int = 0) -> dict:
    key = jax.random.key(seed)
    ks = jax.random.split(key, 12)
    input_ids = jax.random.randint(ks[0], (B, S), 0, VOCAB)
    pinyin_ids = jax.random.randint(ks[1], (B, S * PINYIN_LOCS), 0, PINYIN_VOCAB)
    word_table = jax.random.normal(ks[2], (VOCAB, H), dtype=jnp.float32) * 0.02
    pinyin_char_table = jax.random.normal(ks[3], (PINYIN_VOCAB, PINYIN_EMB), dtype=jnp.float32) * 0.02
    conv_w = jax.random.normal(ks[4], (H, PINYIN_EMB, 2), dtype=jnp.float32) * 0.05
    conv_b = jax.random.normal(ks[5], (H,), dtype=jnp.float32) * 0.01
    glyph_table = jax.random.normal(ks[6], (VOCAB, GLYPH_DIM), dtype=jnp.float32) * 0.02
    glyph_w = jax.random.normal(ks[7], (H, GLYPH_DIM), dtype=jnp.float32) * 0.02
    glyph_b = jax.random.normal(ks[8], (H,), dtype=jnp.float32) * 0.01
    pos_table = jax.random.normal(ks[9], (MAX_POS, H), dtype=jnp.float32) * 0.02
    type_table = jax.random.normal(ks[10], (TYPE_VOCAB, H), dtype=jnp.float32) * 0.02
    return {
        'input_ids': input_ids,
        'pinyin_ids': pinyin_ids,
        'word_table': word_table,
        'pinyin_char_table': pinyin_char_table,
        'conv_w': conv_w,
        'conv_b': conv_b,
        'glyph_table': glyph_table,
        'glyph_w': glyph_w,
        'glyph_b': glyph_b,
        'pos_table': pos_table,
        'type_table': type_table,
    }


def reference(input_ids, pinyin_ids, word_table, pinyin_char_table, conv_w, conv_b,
              glyph_table, glyph_w, glyph_b, pos_table, type_table):
    Bv, Sv = input_ids.shape
    # word embeddings: gather
    word_embeddings = jnp.take(word_table, input_ids, axis=0)  # [B, S, H]
    # pinyin embeddings: char-embedding gather -> Conv1d(k=2) over the 8 pinyin locs -> max pool
    p_ids = pinyin_ids.reshape(Bv, Sv, PINYIN_LOCS)
    p = jnp.take(pinyin_char_table, p_ids, axis=0)  # [B, S, 8, 128]
    x0 = jnp.einsum('bsld,od->bslo', p[:, :, :-1, :], conv_w[:, :, 0])
    x1 = jnp.einsum('bsld,od->bslo', p[:, :, 1:, :], conv_w[:, :, 1])
    conv_out = x0 + x1 + conv_b  # [B, S, 7, H]
    pinyin_embeddings = jnp.max(conv_out, axis=2)  # [B, S, H]
    # glyph embeddings: gather of flattened font bitmaps -> linear map to hidden
    glyph_feat = jnp.take(glyph_table, input_ids, axis=0)  # [B, S, 1728]
    glyph_embeddings = glyph_feat @ glyph_w.T + glyph_b  # [B, S, H]
    # position embeddings (position_ids default: registered buffer arange sliced to seq_len)
    position_ids = jnp.arange(Sv)[None, :]  # [1, S]
    position_embeddings = jnp.take(pos_table, position_ids, axis=0)  # [1, S, H]
    # token type embeddings (default token_type_ids = zeros)
    token_type_ids = jnp.zeros((Bv, Sv), dtype=jnp.int32)
    token_type_embeddings = jnp.take(type_table, token_type_ids, axis=0)  # [B, S, H]
    return (word_embeddings, pinyin_embeddings, glyph_embeddings, position_embeddings, token_type_embeddings)

if __name__ == "__main__":
    import jax
    _d = setup_inputs()
    print(jax.jit(kernel)(*tuple(_d.values())))

</pallas_src>

<mosaic_0001>
#map = affine_map<(d0, d1) -> (0)>
#map1 = affine_map<(d0, d1) -> (0, 0)>
module attributes {stable_mosaic.version = 14 : i64} {
  func.func @k(%arg0: i32, %arg1: i32, %arg2: memref<8192xi32, #tpu.memory_space<hbm>>, %arg3: memref<23236x768xf32, #tpu.memory_space<hbm>>, %arg4: memref<8192x768xf32, #tpu.memory_space<hbm>>, %arg5: memref<2x64xi32, #tpu.memory_space<vmem>>, %arg6: memref<2x64x768xf32, #tpu.memory_space<vmem>>, %arg7: memref<!tpu.dma_semaphore, #tpu.memory_space<semaphore_mem>>, %arg8: memref<!tpu.dma_semaphore, #tpu.memory_space<semaphore_mem>>) attributes {dimension_semantics = [#tpu.dimension_semantics<core_parallel>, #tpu.dimension_semantics<subcore_parallel>], iteration_bounds = array<i64: 2, 16>, scalar_prefetch = 0 : i64, scratch_operands = 4 : i64, tpu.core_type = #tpu.core_type<sc_vector_subcore>, window_params = [{transform_indices = #map}, {transform_indices = #map1}, {transform_indices = #map1}]} {
    %mul3A = arith.constant 2 : i32
    %mul3A_0 = arith.muli %arg1, %mul3A : i32
    %add3A = arith.addi %mul3A_0, %arg0 : i32
    %mul3A_1 = arith.constant 256 : i32
    %mul3A_2 = arith.muli %add3A, %mul3A_1 : i32
    %run_scoped3A = arith.constant 0 : i32
    "tpu.region"() ({
      %run_scoped3A_118 = tpu.sem_alloc : memref<!tpu.dma_semaphore, #tpu.memory_space<semaphore_mem>>
      %dma_start3A_119 = arith.constant 0 : i32
      %dma_start3A_120 = tpu.memref_slice %arg5[%run_scoped3A, %dma_start3A_119] : memref<2x64xi32, #tpu.memory_space<vmem>> -> memref<1x64xi32, #tpu.memory_space<vmem>>
      %dma_start3A_121 = tpu.memref_squeeze %dma_start3A_120 : memref<1x64xi32, #tpu.memory_space<vmem>> -> memref<64xi32, #tpu.memory_space<vmem>>
      %dma_start3A_122 = tpu.memref_slice %arg2[%mul3A_2] : memref<8192xi32, #tpu.memory_space<hbm>> -> memref<64xi32, #tpu.memory_space<hbm>>
      %dma_start3A_123 = arith.constant 0 : i32
      %dma_start3A_124 = tpu.memref_slice %arg5[%run_scoped3A, %dma_start3A_123] : memref<2x64xi32, #tpu.memory_space<vmem>> -> memref<1x64xi32, #tpu.memory_space<vmem>>
      %dma_start3A_125 = tpu.memref_squeeze %dma_start3A_124 : memref<1x64xi32, #tpu.memory_space<vmem>> -> memref<64xi32, #tpu.memory_space<vmem>>
      %dma_start3A_126 = tpu.memref_slice %arg2[%mul3A_2] : memref<8192xi32, #tpu.memory_space<hbm>> -> memref<64xi32, #tpu.memory_space<hbm>>
      tpu.enqueue_dma source(%dma_start3A_126 : memref<64xi32, #tpu.memory_space<hbm>>) target(%dma_start3A_125 : memref<64xi32, #tpu.memory_space<vmem>>) target_semaphore(%run_scoped3A_118 : memref<!tpu.dma_semaphore, #tpu.memory_space<semaphore_mem>>)
      %dma_wait3A_127 = arith.constant 0 : i32
      %dma_wait3A_128 = tpu.memref_slice %arg5[%run_scoped3A, %dma_wait3A_127] : memref<2x64xi32, #tpu.memory_space<vmem>> -> memref<1x64xi32, #tpu.memory_space<vmem>>
      %dma_wait3A_129 = tpu.memref_squeeze %dma_wait3A_128 : memref<1x64xi32, #tpu.memory_space<vmem>> -> memref<64xi32, #tpu.memory_space<vmem>>
      %dma_wait3A_130 = tpu.memref_slice %arg2[%mul3A_2] : memref<8192xi32, #tpu.memory_space<hbm>> -> memref<64xi32, #tpu.memory_space<hbm>>
      %dma_wait3A_131 = arith.constant 0 : i32
      %dma_wait3A_132 = tpu.memref_slice %arg5[%run_scoped3A, %dma_wait3A_131] : memref<2x64xi32, #tpu.memory_space<vmem>> -> memref<1x64xi32, #tpu.memory_space<vmem>>
      %dma_wait3A_133 = tpu.memref_squeeze %dma_wait3A_132 : memref<1x64xi32, #tpu.memory_space<vmem>> -> memref<64xi32, #tpu.memory_space<vmem>>
      %dma_wait3A_134 = tpu.memref_slice %arg2[%mul3A_2] : memref<8192xi32, #tpu.memory_space<hbm>> -> memref<64xi32, #tpu.memory_space<hbm>>
      tpu.wait_dma2 semaphore(%run_scoped3A_118 : memref<!tpu.dma_semaphore, #tpu.memory_space<semaphore_mem>>) src(%dma_wait3A_134 : memref<64xi32, #tpu.memory_space<hbm>>) dst(%dma_wait3A_133 : memref<64xi32, #tpu.memory_space<vmem>>)
      tpu.yield
    }) : () -> ()
    %dma_start3A = arith.constant 0 : i32
    %dma_start3A_3 = arith.constant 0 : i32
    %dma_start3A_4 = arith.constant 0 : i32
    %dma_start3A_5 = arith.constant 0 : i32
    %dma_start3A_6 = tpu.memref_slice %arg6[%dma_start3A_3, %dma_start3A_4, %dma_start3A_5] : memref<2x64x768xf32, #tpu.memory_space<vmem>> -> memref<1x64x768xf32, #tpu.memory_space<vmem>>
    %dma_start3A_7 = tpu.memref_squeeze %dma_start3A_6 : memref<1x64x768xf32, #tpu.memory_space<vmem>> -> memref<64x768xf32, #tpu.memory_space<vmem>>
    %dma_start3A_8 = arith.constant 0 : i32
    %dma_start3A_9 = tpu.memref_slice %arg5[%dma_start3A, %dma_start3A_8] : memref<2x64xi32, #tpu.memory_space<vmem>> -> memref<1x64xi32, #tpu.memory_space<vmem>>
    %dma_start3A_10 = tpu.memref_squeeze %dma_start3A_9 : memref<1x64xi32, #tpu.memory_space<vmem>> -> memref<64xi32, #tpu.memory_space<vmem>>
    %dma_start3A_11 = arith.constant 0 : i32
    %dma_start3A_12 = arith.constant 0 : i32
    %dma_start3A_13 = tpu.memref_slice %arg3[%dma_start3A_11, %dma_start3A_12] : memref<23236x768xf32, #tpu.memory_space<hbm>> -> memref<23236x768xf32, #tpu.memory_space<hbm>>
    tpu.enqueue_indirect_dma source(%dma_start3A_13 : memref<23236x768xf32, #tpu.memory_space<hbm>>) target(%dma_start3A_7 : memref<64x768xf32, #tpu.memory_space<vmem>>) offsets(%dma_start3A_10 : memref<64xi32, #tpu.memory_space<vmem>>) semaphore(%arg7 : memref<!tpu.dma_semaphore, #tpu.memory_space<semaphore_mem>>)
    %add3A_14 = arith.constant 64 : i32
    %add3A_15 = arith.addi %mul3A_2, %add3A_14 : i32
    %run_scoped3A_16 = arith.constant 1 : i32
    "tpu.region"() ({
      %run_scoped3A_118 = tpu.sem_alloc : memref<!tpu.dma_semaphore, #tpu.memory_space<semaphore_mem>>
      %dma_start3A_119 = arith.constant 0 : i32
      %dma_start3A_120 = tpu.memref_slice %arg5[%run_scoped3A_16, %dma_start3A_119] : memref<2x64xi32, #tpu.memory_space<vmem>> -> memref<1x64xi32, #tpu.memory_space<vmem>>
      %dma_start3A_121 = tpu.memref_squeeze %dma_start3A_120 : memref<1x64xi32, #tpu.memory_space<vmem>> -> memref<64xi32, #tpu.memory_space<vmem>>
      %dma_start3A_122 = tpu.memref_slice %arg2[%add3A_15] : memref<8192xi32, #tpu.memory_space<hbm>> -> memref<64xi32, #tpu.memory_space<hbm>>
      %dma_start3A_123 = arith.constant 0 : i32
      %dma_start3A_124 = tpu.memref_slice %arg5[%run_scoped3A_16, %dma_start3A_123] : memref<2x64xi32, #tpu.memory_space<vmem>> -> memref<1x64xi32, #tpu.memory_space<vmem>>
      %dma_start3A_125 = tpu.memref_squeeze %dma_start3A_124 : memref<1x64xi32, #tpu.memory_space<vmem>> -> memref<64xi32, #tpu.memory_space<vmem>>
      %dma_start3A_126 = tpu.memref_slice %arg2[%add3A_15] : memref<8192xi32, #tpu.memory_space<hbm>> -> memref<64xi32, #tpu.memory_space<hbm>>
      tpu.enqueue_dma source(%dma_start3A_126 : memref<64xi32, #tpu.memory_space<hbm>>) target(%dma_start3A_125 : memref<64xi32, #tpu.memory_space<vmem>>) target_semaphore(%run_scoped3A_118 : memref<!tpu.dma_semaphore, #tpu.memory_space<semaphore_mem>>)
      %dma_wait3A_127 = arith.constant 0 : i32
      %dma_wait3A_128 = tpu.memref_slice %arg5[%run_scoped3A_16, %dma_wait3A_127] : memref<2x64xi32, #tpu.memory_space<vmem>> -> memref<1x64xi32, #tpu.memory_space<vmem>>
      %dma_wait3A_129 = tpu.memref_squeeze %dma_wait3A_128 : memref<1x64xi32, #tpu.memory_space<vmem>> -> memref<64xi32, #tpu.memory_space<vmem>>
      %dma_wait3A_130 = tpu.memref_slice %arg2[%add3A_15] : memref<8192xi32, #tpu.memory_space<hbm>> -> memref<64xi32, #tpu.memory_space<hbm>>
      %dma_wait3A_131 = arith.constant 0 : i32
      %dma_wait3A_132 = tpu.memref_slice %arg5[%run_scoped3A_16, %dma_wait3A_131] : memref<2x64xi32, #tpu.memory_space<vmem>> -> memref<1x64xi32, #tpu.memory_space<vmem>>
      %dma_wait3A_133 = tpu.memref_squeeze %dma_wait3A_132 : memref<1x64xi32, #tpu.memory_space<vmem>> -> memref<64xi32, #tpu.memory_space<vmem>>
      %dma_wait3A_134 = tpu.memref_slice %arg2[%add3A_15] : memref<8192xi32, #tpu.memory_space<hbm>> -> memref<64xi32, #tpu.memory_space<hbm>>
      tpu.wait_dma2 semaphore(%run_scoped3A_118 : memref<!tpu.dma_semaphore, #tpu.memory_space<semaphore_mem>>) src(%dma_wait3A_134 : memref<64xi32, #tpu.memory_space<hbm>>) dst(%dma_wait3A_133 : memref<64xi32, #tpu.memory_space<vmem>>)
      tpu.yield
    }) : () -> ()
    %dma_start3A_17 = arith.constant 1 : i32
    %dma_start3A_18 = arith.constant 1 : i32
    %dma_start3A_19 = arith.constant 0 : i32
    %dma_start3A_20 = arith.constant 0 : i32
    %dma_start3A_21 = tpu.memref_slice %arg6[%dma_start3A_18, %dma_start3A_19, %dma_start3A_20] : memref<2x64x768xf32, #tpu.memory_space<vmem>> -> memref<1x64x768xf32, #tpu.memory_space<vmem>>
    %dma_start3A_22 = tpu.memref_squeeze %dma_start3A_21 : memref<1x64x768xf32, #tpu.memory_space<vmem>> -> memref<64x768xf32, #tpu.memory_space<vmem>>
    %dma_start3A_23 = arith.constant 0 : i32
    %dma_start3A_24 = tpu.memref_slice %arg5[%dma_start3A_17, %dma_start3A_23] : memref<2x64xi32, #tpu.memory_space<vmem>> -> memref<1x64xi32, #tpu.memory_space<vmem>>
    %dma_start3A_25 = tpu.memref_squeeze %dma_start3A_24 : memref<1x64xi32, #tpu.memory_space<vmem>> -> memref<64xi32, #tpu.memory_space<vmem>>
    %dma_start3A_26 = arith.constant 0 : i32
    %dma_start3A_27 = arith.constant 0 : i32
    %dma_start3A_28 = tpu.memref_slice %arg3[%dma_start3A_26, %dma_start3A_27] : memref<23236x768xf32, #tpu.memory_space<hbm>> -> memref<23236x768xf32, #tpu.memory_space<hbm>>
    tpu.enqueue_indirect_dma source(%dma_start3A_28 : memref<23236x768xf32, #tpu.memory_space<hbm>>) target(%dma_start3A_22 : memref<64x768xf32, #tpu.memory_space<vmem>>) offsets(%dma_start3A_25 : memref<64xi32, #tpu.memory_space<vmem>>) semaphore(%arg8 : memref<!tpu.dma_semaphore, #tpu.memory_space<semaphore_mem>>)
    %dma_wait3A = arith.constant 0 : i32
    %dma_wait3A_29 = arith.constant 0 : i32
    %dma_wait3A_30 = arith.constant 0 : i32
    %dma_wait3A_31 = arith.constant 0 : i32
    %dma_wait3A_32 = tpu.memref_slice %arg6[%dma_wait3A_29, %dma_wait3A_30, %dma_wait3A_31] : memref<2x64x768xf32, #tpu.memory_space<vmem>> -> memref<1x64x768xf32, #tpu.memory_space<vmem>>
    %dma_wait3A_33 = tpu.memref_squeeze %dma_wait3A_32 : memref<1x64x768xf32, #tpu.memory_space<vmem>> -> memref<64x768xf32, #tpu.memory_space<vmem>>
    %dma_wait3A_34 = arith.constant 0 : i32
    %dma_wait3A_35 = tpu.memref_slice %arg5[%dma_wait3A, %dma_wait3A_34] : memref<2x64xi32, #tpu.memory_space<vmem>> -> memref<1x64xi32, #tpu.memory_space<vmem>>
    %dma_wait3A_36 = tpu.memref_squeeze %dma_wait3A_35 : memref<1x64xi32, #tpu.memory_space<vmem>> -> memref<64xi32, #tpu.memory_space<vmem>>
    %dma_wait3A_37 = arith.constant 0 : i32
    %dma_wait3A_38 = arith.constant 0 : i32
    %dma_wait3A_39 = tpu.memref_slice %arg3[%dma_wait3A_37, %dma_wait3A_38] : memref<23236x768xf32, #tpu.memory_space<hbm>> -> memref<23236x768xf32, #tpu.memory_space<hbm>>
    tpu.wait_indirect_dma semaphore(%arg7 : memref<!tpu.dma_semaphore, #tpu.memory_space<semaphore_mem>>) src(%dma_wait3A_39 : memref<23236x768xf32, #tpu.memory_space<hbm>>) dst(%dma_wait3A_33 : memref<64x768xf32, #tpu.memory_space<vmem>>)
    %add3A_40 = arith.constant 0 : i32
    %add3A_41 = arith.addi %mul3A_2, %add3A_40 : i32
    %run_scoped3A_42 = arith.constant 0 : i32
    "tpu.region"() ({
      %run_scoped3A_118 = tpu.sem_alloc : memref<!tpu.dma_semaphore, #tpu.memory_space<semaphore_mem>>
      %dma_start3A_119 = arith.constant 0 : i32
      %dma_start3A_120 = arith.constant 0 : i32
      %dma_start3A_121 = tpu.memref_slice %arg6[%run_scoped3A_42, %dma_start3A_119, %dma_start3A_120] : memref<2x64x768xf32, #tpu.memory_space<vmem>> -> memref<1x64x768xf32, #tpu.memory_space<vmem>>
      %dma_start3A_122 = tpu.memref_squeeze %dma_start3A_121 : memref<1x64x768xf32, #tpu.memory_space<vmem>> -> memref<64x768xf32, #tpu.memory_space<vmem>>
      %dma_start3A_123 = arith.constant 0 : i32
      %dma_start3A_124 = tpu.memref_slice %arg4[%add3A_41, %dma_start3A_123] : memref<8192x768xf32, #tpu.memory_space<hbm>> -> memref<64x768xf32, #tpu.memory_space<hbm>>
      %dma_start3A_125 = arith.constant 0 : i32
      %dma_start3A_126 = tpu.memref_slice %arg4[%add3A_41, %dma_start3A_125] : memref<8192x768xf32, #tpu.memory_space<hbm>> -> memref<64x768xf32, #tpu.memory_space<hbm>>
      %dma_start3A_127 = arith.constant 0 : i32
      %dma_start3A_128 = arith.constant 0 : i32
      %dma_start3A_129 = tpu.memref_slice %arg6[%run_scoped3A_42, %dma_start3A_127, %dma_start3A_128] : memref<2x64x768xf32, #tpu.memory_space<vmem>> -> memref<1x64x768xf32, #tpu.memory_space<vmem>>
      %dma_start3A_130 = tpu.memref_squeeze %dma_start3A_129 : memref<1x64x768xf32, #tpu.memory_space<vmem>> -> memref<64x768xf32, #tpu.memory_space<vmem>>
      tpu.enqueue_dma source(%dma_start3A_130 : memref<64x768xf32, #tpu.memory_space<vmem>>) target(%dma_start3A_126 : memref<64x768xf32, #tpu.memory_space<hbm>>) target_semaphore(%run_scoped3A_118 : memref<!tpu.dma_semaphore, #tpu.memory_space<semaphore_mem>>)
      %dma_wait3A_131 = arith.constant 0 : i32
      %dma_wait3A_132 = arith.constant 0 : i32
      %dma_wait3A_133 = tpu.memref_slice %arg6[%run_scoped3A_42, %dma_wait3A_131, %dma_wait3A_132] : memref<2x64x768xf32, #tpu.memory_space<vmem>> -> memref<1x64x768xf32, #tpu.memory_space<vmem>>
      %dma_wait3A_134 = tpu.memref_squeeze %dma_wait3A_133 : memref<1x64x768xf32, #tpu.memory_space<vmem>> -> memref<64x768xf32, #tpu.memory_space<vmem>>
      %dma_wait3A_135 = arith.constant 0 : i32
      %dma_wait3A_136 = tpu.memref_slice %arg4[%add3A_41, %dma_wait3A_135] : memref<8192x768xf32, #tpu.memory_space<hbm>> -> memref<64x768xf32, #tpu.memory_space<hbm>>
      %dma_wait3A_137 = arith.constant 0 : i32
      %dma_wait3A_138 = tpu.memref_slice %arg4[%add3A_41, %dma_wait3A_137] : memref<8192x768xf32, #tpu.memory_space<hbm>> -> memref<64x768xf32, #tpu.memory_space<hbm>>
      %dma_wait3A_139 = arith.constant 0 : i32
      %dma_wait3A_140 = arith.constant 0 : i32
      %dma_wait3A_141 = tpu.memref_slice %arg6[%run_scoped3A_42, %dma_wait3A_139, %dma_wait3A_140] : memref<2x64x768xf32, #tpu.memory_space<vmem>> -> memref<1x64x768xf32, #tpu.memory_space<vmem>>
      %dma_wait3A_142 = tpu.memref_squeeze %dma_wait3A_141 : memref<1x64x768xf32, #tpu.memory_space<vmem>> -> memref<64x768xf32, #tpu.memory_space<vmem>>
      tpu.wait_dma2 semaphore(%run_scoped3A_118 : memref<!tpu.dma_semaphore, #tpu.memory_space<semaphore_mem>>) src(%dma_wait3A_142 : memref<64x768xf32, #tpu.memory_space<vmem>>) dst(%dma_wait3A_138 : memref<64x768xf32, #tpu.memory_space<hbm>>)
      tpu.yield
    }) : () -> ()
    %add3A_43 = arith.constant 128 : i32
    %add3A_44 = arith.addi %mul3A_2, %add3A_43 : i32
    %run_scoped3A_45 = arith.constant 0 : i32
    "tpu.region"() ({
      %run_scoped3A_118 = tpu.sem_alloc : memref<!tpu.dma_semaphore, #tpu.memory_space<semaphore_mem>>
      %dma_start3A_119 = arith.constant 0 : i32
      %dma_start3A_120 = tpu.memref_slice %arg5[%run_scoped3A_45, %dma_start3A_119] : memref<2x64xi32, #tpu.memory_space<vmem>> -> memref<1x64xi32, #tpu.memory_space<vmem>>
      %dma_start3A_121 = tpu.memref_squeeze %dma_start3A_120 : memref<1x64xi32, #tpu.memory_space<vmem>> -> memref<64xi32, #tpu.memory_space<vmem>>
      %dma_start3A_122 = tpu.memref_slice %arg2[%add3A_44] : memref<8192xi32, #tpu.memory_space<hbm>> -> memref<64xi32, #tpu.memory_space<hbm>>
      %dma_start3A_123 = arith.constant 0 : i32
      %dma_start3A_124 = tpu.memref_slice %arg5[%run_scoped3A_45, %dma_start3A_123] : memref<2x64xi32, #tpu.memory_space<vmem>> -> memref<1x64xi32, #tpu.memory_space<vmem>>
      %dma_start3A_125 = tpu.memref_squeeze %dma_start3A_124 : memref<1x64xi32, #tpu.memory_space<vmem>> -> memref<64xi32, #tpu.memory_space<vmem>>
      %dma_start3A_126 = tpu.memref_slice %arg2[%add3A_44] : memref<8192xi32, #tpu.memory_space<hbm>> -> memref<64xi32, #tpu.memory_space<hbm>>
      tpu.enqueue_dma source(%dma_start3A_126 : memref<64xi32, #tpu.memory_space<hbm>>) target(%dma_start3A_125 : memref<64xi32, #tpu.memory_space<vmem>>) target_semaphore(%run_scoped3A_118 : memref<!tpu.dma_semaphore, #tpu.memory_space<semaphore_mem>>)
      %dma_wait3A_127 = arith.constant 0 : i32
      %dma_wait3A_128 = tpu.memref_slice %arg5[%run_scoped3A_45, %dma_wait3A_127] : memref<2x64xi32, #tpu.memory_space<vmem>> -> memref<1x64xi32, #tpu.memory_space<vmem>>
      %dma_wait3A_129 = tpu.memref_squeeze %dma_wait3A_128 : memref<1x64xi32, #tpu.memory_space<vmem>> -> memref<64xi32, #tpu.memory_space<vmem>>
      %dma_wait3A_130 = tpu.memref_slice %arg2[%add3A_44] : memref<8192xi32, #tpu.memory_space<hbm>> -> memref<64xi32, #tpu.memory_space<hbm>>
      %dma_wait3A_131 = arith.constant 0 : i32
      %dma_wait3A_132 = tpu.memref_slice %arg5[%run_scoped3A_45, %dma_wait3A_131] : memref<2x64xi32, #tpu.memory_space<vmem>> -> memref<1x64xi32, #tpu.memory_space<vmem>>
      %dma_wait3A_133 = tpu.memref_squeeze %dma_wait3A_132 : memref<1x64xi32, #tpu.memory_space<vmem>> -> memref<64xi32, #tpu.memory_space<vmem>>
      %dma_wait3A_134 = tpu.memref_slice %arg2[%add3A_44] : memref<8192xi32, #tpu.memory_space<hbm>> -> memref<64xi32, #tpu.memory_space<hbm>>
      tpu.wait_dma2 semaphore(%run_scoped3A_118 : memref<!tpu.dma_semaphore, #tpu.memory_space<semaphore_mem>>) src(%dma_wait3A_134 : memref<64xi32, #tpu.memory_space<hbm>>) dst(%dma_wait3A_133 : memref<64xi32, #tpu.memory_space<vmem>>)
      tpu.yield
    }) : () -> ()
    %dma_start3A_46 = arith.constant 0 : i32
    %dma_start3A_47 = arith.constant 0 : i32
    %dma_start3A_48 = arith.constant 0 : i32
    %dma_start3A_49 = arith.constant 0 : i32
    %dma_start3A_50 = tpu.memref_slice %arg6[%dma_start3A_47, %dma_start3A_48, %dma_start3A_49] : memref<2x64x768xf32, #tpu.memory_space<vmem>> -> memref<1x64x768xf32, #tpu.memory_space<vmem>>
    %dma_start3A_51 = tpu.memref_squeeze %dma_start3A_50 : memref<1x64x768xf32, #tpu.memory_space<vmem>> -> memref<64x768xf32, #tpu.memory_space<vmem>>
    %dma_start3A_52 = arith.constant 0 : i32
    %dma_start3A_53 = tpu.memref_slice %arg5[%dma_start3A_46, %dma_start3A_52] : memref<2x64xi32, #tpu.memory_space<vmem>> -> memref<1x64xi32, #tpu.memory_space<vmem>>
    %dma_start3A_54 = tpu.memref_squeeze %dma_start3A_53 : memref<1x64xi32, #tpu.memory_space<vmem>> -> memref<64xi32, #tpu.memory_space<vmem>>
    %dma_start3A_55 = arith.constant 0 : i32
    %dma_start3A_56 = arith.constant 0 : i32
    %dma_start3A_57 = tpu.memref_slice %arg3[%dma_start3A_55, %dma_start3A_56] : memref<23236x768xf32, #tpu.memory_space<hbm>> -> memref<23236x768xf32, #tpu.memory_space<hbm>>
    tpu.enqueue_indirect_dma source(%dma_start3A_57 : memref<23236x768xf32, #tpu.memory_space<hbm>>) target(%dma_start3A_51 : memref<64x768xf32, #tpu.memory_space<vmem>>) offsets(%dma_start3A_54 : memref<64xi32, #tpu.memory_space<vmem>>) semaphore(%arg7 : memref<!tpu.dma_semaphore, #tpu.memory_space<semaphore_mem>>)
    %dma_wait3A_58 = arith.constant 1 : i32
    %dma_wait3A_59 = arith.constant 1 : i32
    %dma_wait3A_60 = arith.constant 0 : i32
    %dma_wait3A_61 = arith.constant 0 : i32
    %dma_wait3A_62 = tpu.memref_slice %arg6[%dma_wait3A_59, %dma_wait3A_60, %dma_wait3A_61] : memref<2x64x768xf32, #tpu.memory_space<vmem>> -> memref<1x64x768xf32, #tpu.memory_space<vmem>>
    %dma_wait3A_63 = tpu.memref_squeeze %dma_wait3A_62 : memref<1x64x768xf32, #tpu.memory_space<vmem>> -> memref<64x768xf32, #tpu.memory_space<vmem>>
    %dma_wait3A_64 = arith.constant 0 : i32
    %dma_wait3A_65 = tpu.memref_slice %arg5[%dma_wait3A_58, %dma_wait3A_64] : memref<2x64xi32, #tpu.memory_space<vmem>> -> memref<1x64xi32, #tpu.memory_space<vmem>>
    %dma_wait3A_66 = tpu.memref_squeeze %dma_wait3A_65 : memref<1x64xi32, #tpu.memory_space<vmem>> -> memref<64xi32, #tpu.memory_space<vmem>>
    %dma_wait3A_67 = arith.constant 0 : i32
    %dma_wait3A_68 = arith.constant 0 : i32
    %dma_wait3A_69 = tpu.memref_slice %arg3[%dma_wait3A_67, %dma_wait3A_68] : memref<23236x768xf32, #tpu.memory_space<hbm>> -> memref<23236x768xf32, #tpu.memory_space<hbm>>
    tpu.wait_indirect_dma semaphore(%arg8 : memref<!tpu.dma_semaphore, #tpu.memory_space<semaphore_mem>>) src(%dma_wait3A_69 : memref<23236x768xf32, #tpu.memory_space<hbm>>) dst(%dma_wait3A_63 : memref<64x768xf32, #tpu.memory_space<vmem>>)
    %add3A_70 = arith.constant 64 : i32
    %add3A_71 = arith.addi %mul3A_2, %add3A_70 : i32
    %run_scoped3A_72 = arith.constant 1 : i32
    "tpu.region"() ({
      %run_scoped3A_118 = tpu.sem_alloc : memref<!tpu.dma_semaphore, #tpu.memory_space<semaphore_mem>>
      %dma_start3A_119 = arith.constant 0 : i32
      %dma_start3A_120 = arith.constant 0 : i32
      %dma_start3A_121 = tpu.memref_slice %arg6[%run_scoped3A_72, %dma_start3A_119, %dma_start3A_120] : memref<2x64x768xf32, #tpu.memory_space<vmem>> -> memref<1x64x768xf32, #tpu.memory_space<vmem>>
      %dma_start3A_122 = tpu.memref_squeeze %dma_start3A_121 : memref<1x64x768xf32, #tpu.memory_space<vmem>> -> memref<64x768xf32, #tpu.memory_space<vmem>>
      %dma_start3A_123 = arith.constant 0 : i32
      %dma_start3A_124 = tpu.memref_slice %arg4[%add3A_71, %dma_start3A_123] : memref<8192x768xf32, #tpu.memory_space<hbm>> -> memref<64x768xf32, #tpu.memory_space<hbm>>
      %dma_start3A_125 = arith.constant 0 : i32
      %dma_start3A_126 = tpu.memref_slice %arg4[%add3A_71, %dma_start3A_125] : memref<8192x768xf32, #tpu.memory_space<hbm>> -> memref<64x768xf32, #tpu.memory_space<hbm>>
      %dma_start3A_127 = arith.constant 0 : i32
      %dma_start3A_128 = arith.constant 0 : i32
      %dma_start3A_129 = tpu.memref_slice %arg6[%run_scoped3A_72, %dma_start3A_127, %dma_start3A_128] : memref<2x64x768xf32, #tpu.memory_space<vmem>> -> memref<1x64x768xf32, #tpu.memory_space<vmem>>
      %dma_start3A_130 = tpu.memref_squeeze %dma_start3A_129 : memref<1x64x768xf32, #tpu.memory_space<vmem>> -> memref<64x768xf32, #tpu.memory_space<vmem>>
      tpu.enqueue_dma source(%dma_start3A_130 : memref<64x768xf32, #tpu.memory_space<vmem>>) target(%dma_start3A_126 : memref<64x768xf32, #tpu.memory_space<hbm>>) target_semaphore(%run_scoped3A_118 : memref<!tpu.dma_semaphore, #tpu.memory_space<semaphore_mem>>)
      %dma_wait3A_131 = arith.constant 0 : i32
      %dma_wait3A_132 = arith.constant 0 : i32
      %dma_wait3A_133 = tpu.memref_slice %arg6[%run_scoped3A_72, %dma_wait3A_131, %dma_wait3A_132] : memref<2x64x768xf32, #tpu.memory_space<vmem>> -> memref<1x64x768xf32, #tpu.memory_space<vmem>>
      %dma_wait3A_134 = tpu.memref_squeeze %dma_wait3A_133 : memref<1x64x768xf32, #tpu.memory_space<vmem>> -> memref<64x768xf32, #tpu.memory_space<vmem>>
      %dma_wait3A_135 = arith.constant 0 : i32
      %dma_wait3A_136 = tpu.memref_slice %arg4[%add3A_71, %dma_wait3A_135] : memref<8192x768xf32, #tpu.memory_space<hbm>> -> memref<64x768xf32, #tpu.memory_space<hbm>>
      %dma_wait3A_137 = arith.constant 0 : i32
      %dma_wait3A_138 = tpu.memref_slice %arg4[%add3A_71, %dma_wait3A_137] : memref<8192x768xf32, #tpu.memory_space<hbm>> -> memref<64x768xf32, #tpu.memory_space<hbm>>
      %dma_wait3A_139 = arith.constant 0 : i32
      %dma_wait3A_140 = arith.constant 0 : i32
      %dma_wait3A_141 = tpu.memref_slice %arg6[%run_scoped3A_72, %dma_wait3A_139, %dma_wait3A_140] : memref<2x64x768xf32, #tpu.memory_space<vmem>> -> memref<1x64x768xf32, #tpu.memory_space<vmem>>
      %dma_wait3A_142 = tpu.memref_squeeze %dma_wait3A_141 : memref<1x64x768xf32, #tpu.memory_space<vmem>> -> memref<64x768xf32, #tpu.memory_space<vmem>>
      tpu.wait_dma2 semaphore(%run_scoped3A_118 : memref<!tpu.dma_semaphore, #tpu.memory_space<semaphore_mem>>) src(%dma_wait3A_142 : memref<64x768xf32, #tpu.memory_space<vmem>>) dst(%dma_wait3A_138 : memref<64x768xf32, #tpu.memory_space<hbm>>)
      tpu.yield
    }) : () -> ()
    %add3A_73 = arith.constant 192 : i32
    %add3A_74 = arith.addi %mul3A_2, %add3A_73 : i32
    %run_scoped3A_75 = arith.constant 1 : i32
    "tpu.region"() ({
      %run_scoped3A_118 = tpu.sem_alloc : memref<!tpu.dma_semaphore, #tpu.memory_space<semaphore_mem>>
      %dma_start3A_119 = arith.constant 0 : i32
      %dma_start3A_120 = tpu.memref_slice %arg5[%run_scoped3A_75, %dma_start3A_119] : memref<2x64xi32, #tpu.memory_space<vmem>> -> memref<1x64xi32, #tpu.memory_space<vmem>>
      %dma_start3A_121 = tpu.memref_squeeze %dma_start3A_120 : memref<1x64xi32, #tpu.memory_space<vmem>> -> memref<64xi32, #tpu.memory_space<vmem>>
      %dma_start3A_122 = tpu.memref_slice %arg2[%add3A_74] : memref<8192xi32, #tpu.memory_space<hbm>> -> memref<64xi32, #tpu.memory_space<hbm>>
      %dma_start3A_123 = arith.constant 0 : i32
      %dma_start3A_124 = tpu.memref_slice %arg5[%run_scoped3A_75, %dma_start3A_123] : memref<2x64xi32, #tpu.memory_space<vmem>> -> memref<1x64xi32, #tpu.memory_space<vmem>>
      %dma_start3A_125 = tpu.memref_squeeze %dma_start3A_124 : memref<1x64xi32, #tpu.memory_space<vmem>> -> memref<64xi32, #tpu.memory_space<vmem>>
      %dma_start3A_126 = tpu.memref_slice %arg2[%add3A_74] : memref<8192xi32, #tpu.memory_space<hbm>> -> memref<64xi32, #tpu.memory_space<hbm>>
      tpu.enqueue_dma source(%dma_start3A_126 : memref<64xi32, #tpu.memory_space<hbm>>) target(%dma_start3A_125 : memref<64xi32, #tpu.memory_space<vmem>>) target_semaphore(%run_scoped3A_118 : memref<!tpu.dma_semaphore, #tpu.memory_space<semaphore_mem>>)
      %dma_wait3A_127 = arith.constant 0 : i32
      %dma_wait3A_128 = tpu.memref_slice %arg5[%run_scoped3A_75, %dma_wait3A_127] : memref<2x64xi32, #tpu.memory_space<vmem>> -> memref<1x64xi32, #tpu.memory_space<vmem>>
      %dma_wait3A_129 = tpu.memref_squeeze %dma_wait3A_128 : memref<1x64xi32, #tpu.memory_space<vmem>> -> memref<64xi32, #tpu.memory_space<vmem>>
      %dma_wait3A_130 = tpu.memref_slice %arg2[%add3A_74] : memref<8192xi32, #tpu.memory_space<hbm>> -> memref<64xi32, #tpu.memory_space<hbm>>
      %dma_wait3A_131 = arith.constant 0 : i32
      %dma_wait3A_132 = tpu.memref_slice %arg5[%run_scoped3A_75, %dma_wait3A_131] : memref<2x64xi32, #tpu.memory_space<vmem>> -> memref<1x64xi32, #tpu.memory_space<vmem>>
      %dma_wait3A_133 = tpu.memref_squeeze %dma_wait3A_132 : memref<1x64xi32, #tpu.memory_space<vmem>> -> memref<64xi32, #tpu.memory_space<vmem>>
      %dma_wait3A_134 = tpu.memref_slice %arg2[%add3A_74] : memref<8192xi32, #tpu.memory_space<hbm>> -> memref<64xi32, #tpu.memory_space<hbm>>
      tpu.wait_dma2 semaphore(%run_scoped3A_118 : memref<!tpu.dma_semaphore, #tpu.memory_space<semaphore_mem>>) src(%dma_wait3A_134 : memref<64xi32, #tpu.memory_space<hbm>>) dst(%dma_wait3A_133 : memref<64xi32, #tpu.memory_space<vmem>>)
      tpu.yield
    }) : () -> ()
    %dma_start3A_76 = arith.constant 1 : i32
    %dma_start3A_77 = arith.constant 1 : i32
    %dma_start3A_78 = arith.constant 0 : i32
    %dma_start3A_79 = arith.constant 0 : i32
    %dma_start3A_80 = tpu.memref_slice %arg6[%dma_start3A_77, %dma_start3A_78, %dma_start3A_79] : memref<2x64x768xf32, #tpu.memory_space<vmem>> -> memref<1x64x768xf32, #tpu.memory_space<vmem>>
    %dma_start3A_81 = tpu.memref_squeeze %dma_start3A_80 : memref<1x64x768xf32, #tpu.memory_space<vmem>> -> memref<64x768xf32, #tpu.memory_space<vmem>>
    %dma_start3A_82 = arith.constant 0 : i32
    %dma_start3A_83 = tpu.memref_slice %arg5[%dma_start3A_76, %dma_start3A_82] : memref<2x64xi32, #tpu.memory_space<vmem>> -> memref<1x64xi32, #tpu.memory_space<vmem>>
    %dma_start3A_84 = tpu.memref_squeeze %dma_start3A_83 : memref<1x64xi32, #tpu.memory_space<vmem>> -> memref<64xi32, #tpu.memory_space<vmem>>
    %dma_start3A_85 = arith.constant 0 : i32
    %dma_start3A_86 = arith.constant 0 : i32
    %dma_start3A_87 = tpu.memref_slice %arg3[%dma_start3A_85, %dma_start3A_86] : memref<23236x768xf32, #tpu.memory_space<hbm>> -> memref<23236x768xf32, #tpu.memory_space<hbm>>
    tpu.enqueue_indirect_dma source(%dma_start3A_87 : memref<23236x768xf32, #tpu.memory_space<hbm>>) target(%dma_start3A_81 : memref<64x768xf32, #tpu.memory_space<vmem>>) offsets(%dma_start3A_84 : memref<64xi32, #tpu.memory_space<vmem>>) semaphore(%arg8 : memref<!tpu.dma_semaphore, #tpu.memory_space<semaphore_mem>>)
    %dma_wait3A_88 = arith.constant 0 : i32
    %dma_wait3A_89 = arith.constant 0 : i32
    %dma_wait3A_90 = arith.constant 0 : i32
    %dma_wait3A_91 = arith.constant 0 : i32
    %dma_wait3A_92 = tpu.memref_slice %arg6[%dma_wait3A_89, %dma_wait3A_90, %dma_wait3A_91] : memref<2x64x768xf32, #tpu.memory_space<vmem>> -> memref<1x64x768xf32, #tpu.memory_space<vmem>>
    %dma_wait3A_93 = tpu.memref_squeeze %dma_wait3A_92 : memref<1x64x768xf32, #tpu.memory_space<vmem>> -> memref<64x768xf32, #tpu.memory_space<vmem>>
    %dma_wait3A_94 = arith.constant 0 : i32
    %dma_wait3A_95 = tpu.memref_slice %arg5[%dma_wait3A_88, %dma_wait3A_94] : memref<2x64xi32, #tpu.memory_space<vmem>> -> memref<1x64xi32, #tpu.memory_space<vmem>>
    %dma_wait3A_96 = tpu.memref_squeeze %dma_wait3A_95 : memref<1x64xi32, #tpu.memory_space<vmem>> -> memref<64xi32, #tpu.memory_space<vmem>>
    %dma_wait3A_97 = arith.constant 0 : i32
    %dma_wait3A_98 = arith.constant 0 : i32
    %dma_wait3A_99 = tpu.memref_slice %arg3[%dma_wait3A_97, %dma_wait3A_98] : memref<23236x768xf32, #tpu.memory_space<hbm>> -> memref<23236x768xf32, #tpu.memory_space<hbm>>
    tpu.wait_indirect_dma semaphore(%arg7 : memref<!tpu.dma_semaphore, #tpu.memory_space<semaphore_mem>>) src(%dma_wait3A_99 : memref<23236x768xf32, #tpu.memory_space<hbm>>) dst(%dma_wait3A_93 : memref<64x768xf32, #tpu.memory_space<vmem>>)
    %add3A_100 = arith.constant 128 : i32
    %add3A_101 = arith.addi %mul3A_2, %add3A_100 : i32
    %run_scoped3A_102 = arith.constant 0 : i32
    "tpu.region"() ({
      %run_scoped3A_118 = tpu.sem_alloc : memref<!tpu.dma_semaphore, #tpu.memory_space<semaphore_mem>>
      %dma_start3A_119 = arith.constant 0 : i32
      %dma_start3A_120 = arith.constant 0 : i32
      %dma_start3A_121 = tpu.memref_slice %arg6[%run_scoped3A_102, %dma_start3A_119, %dma_start3A_120] : memref<2x64x768xf32, #tpu.memory_space<vmem>> -> memref<1x64x768xf32, #tpu.memory_space<vmem>>
      %dma_start3A_122 = tpu.memref_squeeze %dma_start3A_121 : memref<1x64x768xf32, #tpu.memory_space<vmem>> -> memref<64x768xf32, #tpu.memory_space<vmem>>
      %dma_start3A_123 = arith.constant 0 : i32
      %dma_start3A_124 = tpu.memref_slice %arg4[%add3A_101, %dma_start3A_123] : memref<8192x768xf32, #tpu.memory_space<hbm>> -> memref<64x768xf32, #tpu.memory_space<hbm>>
      %dma_start3A_125 = arith.constant 0 : i32
      %dma_start3A_126 = tpu.memref_slice %arg4[%add3A_101, %dma_start3A_125] : memref<8192x768xf32, #tpu.memory_space<hbm>> -> memref<64x768xf32, #tpu.memory_space<hbm>>
      %dma_start3A_127 = arith.constant 0 : i32
      %dma_start3A_128 = arith.constant 0 : i32
      %dma_start3A_129 = tpu.memref_slice %arg6[%run_scoped3A_102, %dma_start3A_127, %dma_start3A_128] : memref<2x64x768xf32, #tpu.memory_space<vmem>> -> memref<1x64x768xf32, #tpu.memory_space<vmem>>
      %dma_start3A_130 = tpu.memref_squeeze %dma_start3A_129 : memref<1x64x768xf32, #tpu.memory_space<vmem>> -> memref<64x768xf32, #tpu.memory_space<vmem>>
      tpu.enqueue_dma source(%dma_start3A_130 : memref<64x768xf32, #tpu.memory_space<vmem>>) target(%dma_start3A_126 : memref<64x768xf32, #tpu.memory_space<hbm>>) target_semaphore(%run_scoped3A_118 : memref<!tpu.dma_semaphore, #tpu.memory_space<semaphore_mem>>)
      %dma_wait3A_131 = arith.constant 0 : i32
      %dma_wait3A_132 = arith.constant 0 : i32
      %dma_wait3A_133 = tpu.memref_slice %arg6[%run_scoped3A_102, %dma_wait3A_131, %dma_wait3A_132] : memref<2x64x768xf32, #tpu.memory_space<vmem>> -> memref<1x64x768xf32, #tpu.memory_space<vmem>>
      %dma_wait3A_134 = tpu.memref_squeeze %dma_wait3A_133 : memref<1x64x768xf32, #tpu.memory_space<vmem>> -> memref<64x768xf32, #tpu.memory_space<vmem>>
      %dma_wait3A_135 = arith.constant 0 : i32
      %dma_wait3A_136 = tpu.memref_slice %arg4[%add3A_101, %dma_wait3A_135] : memref<8192x768xf32, #tpu.memory_space<hbm>> -> memref<64x768xf32, #tpu.memory_space<hbm>>
      %dma_wait3A_137 = arith.constant 0 : i32
      %dma_wait3A_138 = tpu.memref_slice %arg4[%add3A_101, %dma_wait3A_137] : memref<8192x768xf32, #tpu.memory_space<hbm>> -> memref<64x768xf32, #tpu.memory_space<hbm>>
      %dma_wait3A_139 = arith.constant 0 : i32
      %dma_wait3A_140 = arith.constant 0 : i32
      %dma_wait3A_141 = tpu.memref_slice %arg6[%run_scoped3A_102, %dma_wait3A_139, %dma_wait3A_140] : memref<2x64x768xf32, #tpu.memory_space<vmem>> -> memref<1x64x768xf32, #tpu.memory_space<vmem>>
      %dma_wait3A_142 = tpu.memref_squeeze %dma_wait3A_141 : memref<1x64x768xf32, #tpu.memory_space<vmem>> -> memref<64x768xf32, #tpu.memory_space<vmem>>
      tpu.wait_dma2 semaphore(%run_scoped3A_118 : memref<!tpu.dma_semaphore, #tpu.memory_space<semaphore_mem>>) src(%dma_wait3A_142 : memref<64x768xf32, #tpu.memory_space<vmem>>) dst(%dma_wait3A_138 : memref<64x768xf32, #tpu.memory_space<hbm>>)
      tpu.yield
    }) : () -> ()
    %dma_wait3A_103 = arith.constant 1 : i32
    %dma_wait3A_104 = arith.constant 1 : i32
    %dma_wait3A_105 = arith.constant 0 : i32
    %dma_wait3A_106 = arith.constant 0 : i32
    %dma_wait3A_107 = tpu.memref_slice %arg6[%dma_wait3A_104, %dma_wait3A_105, %dma_wait3A_106] : memref<2x64x768xf32, #tpu.memory_space<vmem>> -> memref<1x64x768xf32, #tpu.memory_space<vmem>>
    %dma_wait3A_108 = tpu.memref_squeeze %dma_wait3A_107 : memref<1x64x768xf32, #tpu.memory_space<vmem>> -> memref<64x768xf32, #tpu.memory_space<vmem>>
    %dma_wait3A_109 = arith.constant 0 : i32
    %dma_wait3A_110 = tpu.memref_slice %arg5[%dma_wait3A_103, %dma_wait3A_109] : memref<2x64xi32, #tpu.memory_space<vmem>> -> memref<1x64xi32, #tpu.memory_space<vmem>>
    %dma_wait3A_111 = tpu.memref_squeeze %dma_wait3A_110 : memref<1x64xi32, #tpu.memory_space<vmem>> -> memref<64xi32, #tpu.memory_space<vmem>>
    %dma_wait3A_112 = arith.constant 0 : i32
    %dma_wait3A_113 = arith.constant 0 : i32
    %dma_wait3A_114 = tpu.memref_slice %arg3[%dma_wait3A_112, %dma_wait3A_113] : memref<23236x768xf32, #tpu.memory_space<hbm>> -> memref<23236x768xf32, #tpu.memory_space<hbm>>
    tpu.wait_indirect_dma semaphore(%arg8 : memref<!tpu.dma_semaphore, #tpu.memory_space<semaphore_mem>>) src(%dma_wait3A_114 : memref<23236x768xf32, #tpu.memory_space<hbm>>) dst(%dma_wait3A_108 : memref<64x768xf32, #tpu.memory_space<vmem>>)
    %add3A_115 = arith.constant 192 : i32
    %add3A_116 = arith.addi %mul3A_2, %add3A_115 : i32
    %run_scoped3A_117 = arith.constant 1 : i32
    "tpu.region"() ({
      %run_scoped3A_118 = tpu.sem_alloc : memref<!tpu.dma_semaphore, #tpu.memory_space<semaphore_mem>>
      %dma_start3A_119 = arith.constant 0 : i32
      %dma_start3A_120 = arith.constant 0 : i32
      %dma_start3A_121 = tpu.memref_slice %arg6[%run_scoped3A_117, %dma_start3A_119, %dma_start3A_120] : memref<2x64x768xf32, #tpu.memory_space<vmem>> -> memref<1x64x768xf32, #tpu.memory_space<vmem>>
      %dma_start3A_122 = tpu.memref_squeeze %dma_start3A_121 : memref<1x64x768xf32, #tpu.memory_space<vmem>> -> memref<64x768xf32, #tpu.memory_space<vmem>>
      %dma_start3A_123 = arith.constant 0 : i32
      %dma_start3A_124 = tpu.memref_slice %arg4[%add3A_116, %dma_start3A_123] : memref<8192x768xf32, #tpu.memory_space<hbm>> -> memref<64x768xf32, #tpu.memory_space<hbm>>
      %dma_start3A_125 = arith.constant 0 : i32
      %dma_start3A_126 = tpu.memref_slice %arg4[%add3A_116, %dma_start3A_125] : memref<8192x768xf32, #tpu.memory_space<hbm>> -> memref<64x768xf32, #tpu.memory_space<hbm>>
      %dma_start3A_127 = arith.constant 0 : i32
      %dma_start3A_128 = arith.constant 0 : i32
      %dma_start3A_129 = tpu.memref_slice %arg6[%run_scoped3A_117, %dma_start3A_127, %dma_start3A_128] : memref<2x64x768xf32, #tpu.memory_space<vmem>> -> memref<1x64x768xf32, #tpu.memory_space<vmem>>
      %dma_start3A_130 = tpu.memref_squeeze %dma_start3A_129 : memref<1x64x768xf32, #tpu.memory_space<vmem>> -> memref<64x768xf32, #tpu.memory_space<vmem>>
      tpu.enqueue_dma source(%dma_start3A_130 : memref<64x768xf32, #tpu.memory_space<vmem>>) target(%dma_start3A_126 : memref<64x768xf32, #tpu.memory_space<hbm>>) target_semaphore(%run_scoped3A_118 : memref<!tpu.dma_semaphore, #tpu.memory_space<semaphore_mem>>)
      %dma_wait3A_131 = arith.constant 0 : i32
      %dma_wait3A_132 = arith.constant 0 : i32
      %dma_wait3A_133 = tpu.memref_slice %arg6[%run_scoped3A_117, %dma_wait3A_131, %dma_wait3A_132] : memref<2x64x768xf32, #tpu.memory_space<vmem>> -> memref<1x64x768xf32, #tpu.memory_space<vmem>>
      %dma_wait3A_134 = tpu.memref_squeeze %dma_wait3A_133 : memref<1x64x768xf32, #tpu.memory_space<vmem>> -> memref<64x768xf32, #tpu.memory_space<vmem>>
      %dma_wait3A_135 = arith.constant 0 : i32
      %dma_wait3A_136 = tpu.memref_slice %arg4[%add3A_116, %dma_wait3A_135] : memref<8192x768xf32, #tpu.memory_space<hbm>> -> memref<64x768xf32, #tpu.memory_space<hbm>>
      %dma_wait3A_137 = arith.constant 0 : i32
      %dma_wait3A_138 = tpu.memref_slice %arg4[%add3A_116, %dma_wait3A_137] : memref<8192x768xf32, #tpu.memory_space<hbm>> -> memref<64x768xf32, #tpu.memory_space<hbm>>
      %dma_wait3A_139 = arith.constant 0 : i32
      %dma_wait3A_140 = arith.constant 0 : i32
      %dma_wait3A_141 = tpu.memref_slice %arg6[%run_scoped3A_117, %dma_wait3A_139, %dma_wait3A_140] : memref<2x64x768xf32, #tpu.memory_space<vmem>> -> memref<1x64x768xf32, #tpu.memory_space<vmem>>
      %dma_wait3A_142 = tpu.memref_squeeze %dma_wait3A_141 : memref<1x64x768xf32, #tpu.memory_space<vmem>> -> memref<64x768xf32, #tpu.memory_space<vmem>>
      tpu.wait_dma2 semaphore(%run_scoped3A_118 : memref<!tpu.dma_semaphore, #tpu.memory_space<semaphore_mem>>) src(%dma_wait3A_142 : memref<64x768xf32, #tpu.memory_space<vmem>>) dst(%dma_wait3A_138 : memref<64x768xf32, #tpu.memory_space<hbm>>)
      tpu.yield
    }) : () -> ()
    return
  }
}

#map = affine_map<(d0, d1) -> (0)>
#map1 = affine_map<(d0, d1) -> (0, 0)>
module attributes {stable_mosaic.version = 14 : i64} {
  func.func @k(%arg0: i32, %arg1: i32, %arg2: memref<8192xi32, #tpu.memory_space<hbm>>, %arg3: memref<23236x768xf32, #tpu.memory_space<hbm>>, %arg4: memref<8192x768xf32, #tpu.memory_space<hbm>>, %arg5: memref<2x64xi32, #tpu.memory_space<vmem>>, %arg6: memref<2x64x768xf32, #tpu.memory_space<vmem>>, %arg7: memref<!tpu.dma_semaphore, #tpu.memory_space<semaphore_mem>>, %arg8: memref<!tpu.dma_semaphore, #tpu.memory_space<semaphore_mem>>) attributes {dimension_semantics = [#tpu.dimension_semantics<core_parallel>, #tpu.dimension_semantics<subcore_parallel>], iteration_bounds = array<i64: 2, 16>, scalar_prefetch = 0 : i64, scratch_operands = 4 : i64, tpu.core_type = #tpu.core_type<sc_vector_subcore>, window_params = [{transform_indices = #map}, {transform_indices = #map1}, {transform_indices = #map1}]} {
    %mul3A = arith.constant 2 : i32
    %mul3A_0 = arith.muli %arg1, %mul3A : i32
    %add3A = arith.addi %mul3A_0, %arg0 : i32
    %mul3A_1 = arith.constant 256 : i32
    %mul3A_2 = arith.muli %add3A, %mul3A_1 : i32
    %run_scoped3A = arith.constant 0 : i32
    "tpu.region"() ({
      %run_scoped3A_118 = tpu.sem_alloc : memref<!tpu.dma_semaphore, #tpu.memory_space<semaphore_mem>>
      %dma_start3A_119 = arith.constant 0 : i32
      %dma_start3A_120 = tpu.memref_slice %arg5[%run_scoped3A, %dma_start3A_119] : memref<2x64xi32, #tpu.memory_space<vmem>> -> memref<1x64xi32, #tpu.memory_space<vmem>>
      %dma_start3A_121 = tpu.memref_squeeze %dma_start3A_120 : memref<1x64xi32, #tpu.memory_space<vmem>> -> memref<64xi32, #tpu.memory_space<vmem>>
      %dma_start3A_122 = tpu.memref_slice %arg2[%mul3A_2] : memref<8192xi32, #tpu.memory_space<hbm>> -> memref<64xi32, #tpu.memory_space<hbm>>
      %dma_start3A_123 = arith.constant 0 : i32
      %dma_start3A_124 = tpu.memref_slice %arg5[%run_scoped3A, %dma_start3A_123] : memref<2x64xi32, #tpu.memory_space<vmem>> -> memref<1x64xi32, #tpu.memory_space<vmem>>
      %dma_start3A_125 = tpu.memref_squeeze %dma_start3A_124 : memref<1x64xi32, #tpu.memory_space<vmem>> -> memref<64xi32, #tpu.memory_space<vmem>>
      %dma_start3A_126 = tpu.memref_slice %arg2[%mul3A_2] : memref<8192xi32, #tpu.memory_space<hbm>> -> memref<64xi32, #tpu.memory_space<hbm>>
      tpu.enqueue_dma source(%dma_start3A_126 : memref<64xi32, #tpu.memory_space<hbm>>) target(%dma_start3A_125 : memref<64xi32, #tpu.memory_space<vmem>>) target_semaphore(%run_scoped3A_118 : memref<!tpu.dma_semaphore, #tpu.memory_space<semaphore_mem>>)
      %dma_wait3A_127 = arith.constant 0 : i32
      %dma_wait3A_128 = tpu.memref_slice %arg5[%run_scoped3A, %dma_wait3A_127] : memref<2x64xi32, #tpu.memory_space<vmem>> -> memref<1x64xi32, #tpu.memory_space<vmem>>
      %dma_wait3A_129 = tpu.memref_squeeze %dma_wait3A_128 : memref<1x64xi32, #tpu.memory_space<vmem>> -> memref<64xi32, #tpu.memory_space<vmem>>
      %dma_wait3A_130 = tpu.memref_slice %arg2[%mul3A_2] : memref<8192xi32, #tpu.memory_space<hbm>> -> memref<64xi32, #tpu.memory_space<hbm>>
      %dma_wait3A_131 = arith.constant 0 : i32
      %dma_wait3A_132 = tpu.memref_slice %arg5[%run_scoped3A, %dma_wait3A_131] : memref<2x64xi32, #tpu.memory_space<vmem>> -> memref<1x64xi32, #tpu.memory_space<vmem>>
      %dma_wait3A_133 = tpu.memref_squeeze %dma_wait3A_132 : memref<1x64xi32, #tpu.memory_space<vmem>> -> memref<64xi32, #tpu.memory_space<vmem>>
      %dma_wait3A_134 = tpu.memref_slice %arg2[%mul3A_2] : memref<8192xi32, #tpu.memory_space<hbm>> -> memref<64xi32, #tpu.memory_space<hbm>>
      tpu.wait_dma2 semaphore(%run_scoped3A_118 : memref<!tpu.dma_semaphore, #tpu.memory_space<semaphore_mem>>) src(%dma_wait3A_134 : memref<64xi32, #tpu.memory_space<hbm>>) dst(%dma_wait3A_133 : memref<64xi32, #tpu.memory_space<vmem>>)
      tpu.yield
    }) : () -> ()
    %dma_start3A = arith.constant 0 : i32
    %dma_start3A_3 = arith.constant 0 : i32
    %dma_start3A_4 = arith.constant 0 : i32
    %dma_start3A_5 = arith.constant 0 : i32
    %dma_start3A_6 = tpu.memref_slice %arg6[%dma_start3A_3, %dma_start3A_4, %dma_start3A_5] : memref<2x64x768xf32, #tpu.memory_space<vmem>> -> memref<1x64x768xf32, #tpu.memory_space<vmem>>
    %dma_start3A_7 = tpu.memref_squeeze %dma_start3A_6 : memref<1x64x768xf32, #tpu.memory_space<vmem>> -> memref<64x768xf32, #tpu.memory_space<vmem>>
    %dma_start3A_8 = arith.constant 0 : i32
    %dma_start3A_9 = tpu.memref_slice %arg5[%dma_start3A, %dma_start3A_8] : memref<2x64xi32, #tpu.memory_space<vmem>> -> memref<1x64xi32, #tpu.memory_space<vmem>>
    %dma_start3A_10 = tpu.memref_squeeze %dma_start3A_9 : memref<1x64xi32, #tpu.memory_space<vmem>> -> memref<64xi32, #tpu.memory_space<vmem>>
    %dma_start3A_11 = arith.constant 0 : i32
    %dma_start3A_12 = arith.constant 0 : i32
    %dma_start3A_13 = tpu.memref_slice %arg3[%dma_start3A_11, %dma_start3A_12] : memref<23236x768xf32, #tpu.memory_space<hbm>> -> memref<23236x768xf32, #tpu.memory_space<hbm>>
    tpu.enqueue_indirect_dma source(%dma_start3A_13 : memref<23236x768xf32, #tpu.memory_space<hbm>>) target(%dma_start3A_7 : memref<64x768xf32, #tpu.memory_space<vmem>>) offsets(%dma_start3A_10 : memref<64xi32, #tpu.memory_space<vmem>>) semaphore(%arg7 : memref<!tpu.dma_semaphore, #tpu.memory_space<semaphore_mem>>)
    %add3A_14 = arith.constant 64 : i32
    %add3A_15 = arith.addi %mul3A_2, %add3A_14 : i32
    %run_scoped3A_16 = arith.constant 1 : i32
    "tpu.region"() ({
      %run_scoped3A_118 = tpu.sem_alloc : memref<!tpu.dma_semaphore, #tpu.memory_space<semaphore_mem>>
      %dma_start3A_119 = arith.constant 0 : i32
      %dma_start3A_120 = tpu.memref_slice %arg5[%run_scoped3A_16, %dma_start3A_119] : memref<2x64xi32, #tpu.memory_space<vmem>> -> memref<1x64xi32, #tpu.memory_space<vmem>>
      %dma_start3A_121 = tpu.memref_squeeze %dma_start3A_120 : memref<1x64xi32, #tpu.memory_space<vmem>> -> memref<64xi32, #tpu.memory_space<vmem>>
      %dma_start3A_122 = tpu.memref_slice %arg2[%add3A_15] : memref<8192xi32, #tpu.memory_space<hbm>> -> memref<64xi32, #tpu.memory_space<hbm>>
      %dma_start3A_123 = arith.constant 0 : i32
      %dma_start3A_124 = tpu.memref_slice %arg5[%run_scoped3A_16, %dma_start3A_123] : memref<2x64xi32, #tpu.memory_space<vmem>> -> memref<1x64xi32, #tpu.memory_space<vmem>>
      %dma_start3A_125 = tpu.memref_squeeze %dma_start3A_124 : memref<1x64xi32, #tpu.memory_space<vmem>> -> memref<64xi32, #tpu.memory_space<vmem>>
      %dma_start3A_126 = tpu.memref_slice %arg2[%add3A_15] : memref<8192xi32, #tpu.memory_space<hbm>> -> memref<64xi32, #tpu.memory_space<hbm>>
      tpu.enqueue_dma source(%dma_start3A_126 : memref<64xi32, #tpu.memory_space<hbm>>) target(%dma_start3A_125 : memref<64xi32, #tpu.memory_space<vmem>>) target_semaphore(%run_scoped3A_118 : memref<!tpu.dma_semaphore, #tpu.memory_space<semaphore_mem>>)
      %dma_wait3A_127 = arith.constant 0 : i32
      %dma_wait3A_128 = tpu.memref_slice %arg5[%run_scoped3A_16, %dma_wait3A_127] : memref<2x64xi32, #tpu.memory_space<vmem>> -> memref<1x64xi32, #tpu.memory_space<vmem>>
      %dma_wait3A_129 = tpu.memref_squeeze %dma_wait3A_128 : memref<1x64xi32, #tpu.memory_space<vmem>> -> memref<64xi32, #tpu.memory_space<vmem>>
      %dma_wait3A_130 = tpu.memref_slice %arg2[%add3A_15] : memref<8192xi32, #tpu.memory_space<hbm>> -> memref<64xi32, #tpu.memory_space<hbm>>
      %dma_wait3A_131 = arith.constant 0 : i32
      %dma_wait3A_132 = tpu.memref_slice %arg5[%run_scoped3A_16, %dma_wait3A_131] : memref<2x64xi32, #tpu.memory_space<vmem>> -> memref<1x64xi32, #tpu.memory_space<vmem>>
      %dma_wait3A_133 = tpu.memref_squeeze %dma_wait3A_132 : memref<1x64xi32, #tpu.memory_space<vmem>> -> memref<64xi32, #tpu.memory_space<vmem>>
      %dma_wait3A_134 = tpu.memref_slice %arg2[%add3A_15] : memref<8192xi32, #tpu.memory_space<hbm>> -> memref<64xi32, #tpu.memory_space<hbm>>
      tpu.wait_dma2 semaphore(%run_scoped3A_118 : memref<!tpu.dma_semaphore, #tpu.memory_space<semaphore_mem>>) src(%dma_wait3A_134 : memref<64xi32, #tpu.memory_space<hbm>>) dst(%dma_wait3A_133 : memref<64xi32, #tpu.memory_space<vmem>>)
      tpu.yield
    }) : () -> ()
    %dma_start3A_17 = arith.constant 1 : i32
    %dma_start3A_18 = arith.constant 1 : i32
    %dma_start3A_19 = arith.constant 0 : i32
    %dma_start3A_20 = arith.constant 0 : i32
    %dma_start3A_21 = tpu.memref_slice %arg6[%dma_start3A_18, %dma_start3A_19, %dma_start3A_20] : memref<2x64x768xf32, #tpu.memory_space<vmem>> -> memref<1x64x768xf32, #tpu.memory_space<vmem>>
    %dma_start3A_22 = tpu.memref_squeeze %dma_start3A_21 : memref<1x64x768xf32, #tpu.memory_space<vmem>> -> memref<64x768xf32, #tpu.memory_space<vmem>>
    %dma_start3A_23 = arith.constant 0 : i32
    %dma_start3A_24 = tpu.memref_slice %arg5[%dma_start3A_17, %dma_start3A_23] : memref<2x64xi32, #tpu.memory_space<vmem>> -> memref<1x64xi32, #tpu.memory_space<vmem>>
    %dma_start3A_25 = tpu.memref_squeeze %dma_start3A_24 : memref<1x64xi32, #tpu.memory_space<vmem>> -> memref<64xi32, #tpu.memory_space<vmem>>
    %dma_start3A_26 = arith.constant 0 : i32
    %dma_start3A_27 = arith.constant 0 : i32
    %dma_start3A_28 = tpu.memref_slice %arg3[%dma_start3A_26, %dma_start3A_27] : memref<23236x768xf32, #tpu.memory_space<hbm>> -> memref<23236x768xf32, #tpu.memory_space<hbm>>
    tpu.enqueue_indirect_dma source(%dma_start3A_28 : memref<23236x768xf32, #tpu.memory_space<hbm>>) target(%dma_start3A_22 : memref<64x768xf32, #tpu.memory_space<vmem>>) offsets(%dma_start3A_25 : memref<64xi32, #tpu.memory_space<vmem>>) semaphore(%arg8 : memref<!tpu.dma_semaphore, #tpu.memory_space<semaphore_mem>>)
    %dma_wait3A = arith.constant 0 : i32
    %dma_wait3A_29 = arith.constant 0 : i32
    %dma_wait3A_30 = arith.constant 0 : i32
    %dma_wait3A_31 = arith.constant 0 : i32
    %dma_wait3A_32 = tpu.memref_slice %arg6[%dma_wait3A_29, %dma_wait3A_30, %dma_wait3A_31] : memref<2x64x768xf32, #tpu.memory_space<vmem>> -> memref<1x64x768xf32, #tpu.memory_space<vmem>>
    %dma_wait3A_33 = tpu.memref_squeeze %dma_wait3A_32 : memref<1x64x768xf32, #tpu.memory_space<vmem>> -> memref<64x768xf32, #tpu.memory_space<vmem>>
    %dma_wait3A_34 = arith.constant 0 : i32
    %dma_wait3A_35 = tpu.memref_slice %arg5[%dma_wait3A, %dma_wait3A_34] : memref<2x64xi32, #tpu.memory_space<vmem>> -> memref<1x64xi32, #tpu.memory_space<vmem>>
    %dma_wait3A_36 = tpu.memref_squeeze %dma_wait3A_35 : memref<1x64xi32, #tpu.memory_space<vmem>> -> memref<64xi32, #tpu.memory_space<vmem>>
    %dma_wait3A_37 = arith.constant 0 : i32
    %dma_wait3A_38 = arith.constant 0 : i32
    %dma_wait3A_39 = tpu.memref_slice %arg3[%dma_wait3A_37, %dma_wait3A_38] : memref<23236x768xf32, #tpu.memory_space<hbm>> -> memref<23236x768xf32, #tpu.memory_space<hbm>>
    tpu.wait_indirect_dma semaphore(%arg7 : memref<!tpu.dma_semaphore, #tpu.memory_space<semaphore_mem>>) src(%dma_wait3A_39 : memref<23236x768xf32, #tpu.memory_space<hbm>>) dst(%dma_wait3A_33 : memref<64x768xf32, #tpu.memory_space<vmem>>)
    %add3A_40 = arith.constant 0 : i32
    %add3A_41 = arith.addi %mul3A_2, %add3A_40 : i32
    %run_scoped3A_42 = arith.constant 0 : i32
    "tpu.region"() ({
      %run_scoped3A_118 = tpu.sem_alloc : memref<!tpu.dma_semaphore, #tpu.memory_space<semaphore_mem>>
      %dma_start3A_119 = arith.constant 0 : i32
      %dma_start3A_120 = arith.constant 0 : i32
      %dma_start3A_121 = tpu.memref_slice %arg6[%run_scoped3A_42, %dma_start3A_119, %dma_start3A_120] : memref<2x64x768xf32, #tpu.memory_space<vmem>> -> memref<1x64x768xf32, #tpu.memory_space<vmem>>
      %dma_start3A_122 = tpu.memref_squeeze %dma_start3A_121 : memref<1x64x768xf32, #tpu.memory_space<vmem>> -> memref<64x768xf32, #tpu.memory_space<vmem>>
      %dma_start3A_123 = arith.constant 0 : i32
      %dma_start3A_124 = tpu.memref_slice %arg4[%add3A_41, %dma_start3A_123] : memref<8192x768xf32, #tpu.memory_space<hbm>> -> memref<64x768xf32, #tpu.memory_space<hbm>>
      %dma_start3A_125 = arith.constant 0 : i32
      %dma_start3A_126 = tpu.memref_slice %arg4[%add3A_41, %dma_start3A_125] : memref<8192x768xf32, #tpu.memory_space<hbm>> -> memref<64x768xf32, #tpu.memory_space<hbm>>
      %dma_start3A_127 = arith.constant 0 : i32
      %dma_start3A_128 = arith.constant 0 : i32
      %dma_start3A_129 = tpu.memref_slice %arg6[%run_scoped3A_42, %dma_start3A_127, %dma_start3A_128] : memref<2x64x768xf32, #tpu.memory_space<vmem>> -> memref<1x64x768xf32, #tpu.memory_space<vmem>>
      %dma_start3A_130 = tpu.memref_squeeze %dma_start3A_129 : memref<1x64x768xf32, #tpu.memory_space<vmem>> -> memref<64x768xf32, #tpu.memory_space<vmem>>
      tpu.enqueue_dma source(%dma_start3A_130 : memref<64x768xf32, #tpu.memory_space<vmem>>) target(%dma_start3A_126 : memref<64x768xf32, #tpu.memory_space<hbm>>) target_semaphore(%run_scoped3A_118 : memref<!tpu.dma_semaphore, #tpu.memory_space<semaphore_mem>>)
      %dma_wait3A_131 = arith.constant 0 : i32
      %dma_wait3A_132 = arith.constant 0 : i32
      %dma_wait3A_133 = tpu.memref_slice %arg6[%run_scoped3A_42, %dma_wait3A_131, %dma_wait3A_132] : memref<2x64x768xf32, #tpu.memory_space<vmem>> -> memref<1x64x768xf32, #tpu.memory_space<vmem>>
      %dma_wait3A_134 = tpu.memref_squeeze %dma_wait3A_133 : memref<1x64x768xf32, #tpu.memory_space<vmem>> -> memref<64x768xf32, #tpu.memory_space<vmem>>
      %dma_wait3A_135 = arith.constant 0 : i32
      %dma_wait3A_136 = tpu.memref_slice %arg4[%add3A_41, %dma_wait3A_135] : memref<8192x768xf32, #tpu.memory_space<hbm>> -> memref<64x768xf32, #tpu.memory_space<hbm>>
      %dma_wait3A_137 = arith.constant 0 : i32
      %dma_wait3A_138 = tpu.memref_slice %arg4[%add3A_41, %dma_wait3A_137] : memref<8192x768xf32, #tpu.memory_space<hbm>> -> memref<64x768xf32, #tpu.memory_space<hbm>>
      %dma_wait3A_139 = arith.constant 0 : i32
      %dma_wait3A_140 = arith.constant 0 : i32
      %dma_wait3A_141 = tpu.memref_slice %arg6[%run_scoped3A_42, %dma_wait3A_139, %dma_wait3A_140] : memref<2x64x768xf32, #tpu.memory_space<vmem>> -> memref<1x64x768xf32, #tpu.memory_space<vmem>>
      %dma_wait3A_142 = tpu.memref_squeeze %dma_wait3A_141 : memref<1x64x768xf32, #tpu.memory_space<vmem>> -> memref<64x768xf32, #tpu.memory_space<vmem>>
      tpu.wait_dma2 semaphore(%run_scoped3A_118 : memref<!tpu.dma_semaphore, #tpu.memory_space<semaphore_mem>>) src(%dma_wait3A_142 : memref<64x768xf32, #tpu.memory_space<vmem>>) dst(%dma_wait3A_138 : memref<64x768xf32, #tpu.memory_space<hbm>>)
      tpu.yield
    }) : () -> ()
    %add3A_43 = arith.constant 128 : i32
    %add3A_44 = arith.addi %mul3A_2, %add3A_43 : i32
    %run_scoped3A_45 = arith.constant 0 : i32
    "tpu.region"() ({
      %run_scoped3A_118 = tpu.sem_alloc : memref<!tpu.dma_semaphore, #tpu.memory_space<semaphore_mem>>
      %dma_start3A_119 = arith.constant 0 : i32
      %dma_start3A_120 = tpu.memref_slice %arg5[%run_scoped3A_45, %dma_start3A_119] : memref<2x64xi32, #tpu.memory_space<vmem>> -> memref<1x64xi32, #tpu.memory_space<vmem>>
      %dma_start3A_121 = tpu.memref_squeeze %dma_start3A_120 : memref<1x64xi32, #tpu.memory_space<vmem>> -> memref<64xi32, #tpu.memory_space<vmem>>
      %dma_start3A_122 = tpu.memref_slice %arg2[%add3A_44] : memref<8192xi32, #tpu.memory_space<hbm>> -> memref<64xi32, #tpu.memory_space<hbm>>
      %dma_start3A_123 = arith.constant 0 : i32
      %dma_start3A_124 = tpu.memref_slice %arg5[%run_scoped3A_45, %dma_start3A_123] : memref<2x64xi32, #tpu.memory_space<vmem>> -> memref<1x64xi32, #tpu.memory_space<vmem>>
      %dma_start3A_125 = tpu.memref_squeeze %dma_start3A_124 : memref<1x64xi32, #tpu.memory_space<vmem>> -> memref<64xi32, #tpu.memory_space<vmem>>
      %dma_start3A_126 = tpu.memref_slice %arg2[%add3A_44] : memref<8192xi32, #tpu.memory_space<hbm>> -> memref<64xi32, #tpu.memory_space<hbm>>
      tpu.enqueue_dma source(%dma_start3A_126 : memref<64xi32, #tpu.memory_space<hbm>>) target(%dma_start3A_125 : memref<64xi32, #tpu.memory_space<vmem>>) target_semaphore(%run_scoped3A_118 : memref<!tpu.dma_semaphore, #tpu.memory_space<semaphore_mem>>)
      %dma_wait3A_127 = arith.constant 0 : i32
      %dma_wait3A_128 = tpu.memref_slice %arg5[%run_scoped3A_45, %dma_wait3A_127] : memref<2x64xi32, #tpu.memory_space<vmem>> -> memref<1x64xi32, #tpu.memory_space<vmem>>
      %dma_wait3A_129 = tpu.memref_squeeze %dma_wait3A_128 : memref<1x64xi32, #tpu.memory_space<vmem>> -> memref<64xi32, #tpu.memory_space<vmem>>
      %dma_wait3A_130 = tpu.memref_slice %arg2[%add3A_44] : memref<8192xi32, #tpu.memory_space<hbm>> -> memref<64xi32, #tpu.memory_space<hbm>>
      %dma_wait3A_131 = arith.constant 0 : i32
      %dma_wait3A_132 = tpu.memref_slice %arg5[%run_scoped3A_45, %dma_wait3A_131] : memref<2x64xi32, #tpu.memory_space<vmem>> -> memref<1x64xi32, #tpu.memory_space<vmem>>
      %dma_wait3A_133 = tpu.memref_squeeze %dma_wait3A_132 : memref<1x64xi32, #tpu.memory_space<vmem>> -> memref<64xi32, #tpu.memory_space<vmem>>
      %dma_wait3A_134 = tpu.memref_slice %arg2[%add3A_44] : memref<8192xi32, #tpu.memory_space<hbm>> -> memref<64xi32, #tpu.memory_space<hbm>>
      tpu.wait_dma2 semaphore(%run_scoped3A_118 : memref<!tpu.dma_semaphore, #tpu.memory_space<semaphore_mem>>) src(%dma_wait3A_134 : memref<64xi32, #tpu.memory_space<hbm>>) dst(%dma_wait3A_133 : memref<64xi32, #tpu.memory_space<vmem>>)
      tpu.yield
    }) : () -> ()
    %dma_start3A_46 = arith.constant 0 : i32
    %dma_start3A_47 = arith.constant 0 : i32
    %dma_start3A_48 = arith.constant 0 : i32
    %dma_start3A_49 = arith.constant 0 : i32
    %dma_start3A_50 = tpu.memref_slice %arg6[%dma_start3A_47, %dma_start3A_48, %dma_start3A_49] : memref<2x64x768xf32, #tpu.memory_space<vmem>> -> memref<1x64x768xf32, #tpu.memory_space<vmem>>
    %dma_start3A_51 = tpu.memref_squeeze %dma_start3A_50 : memref<1x64x768xf32, #tpu.memory_space<vmem>> -> memref<64x768xf32, #tpu.memory_space<vmem>>
    %dma_start3A_52 = arith.constant 0 : i32
    %dma_start3A_53 = tpu.memref_slice %arg5[%dma_start3A_46, %dma_start3A_52] : memref<2x64xi32, #tpu.memory_space<vmem>> -> memref<1x64xi32, #tpu.memory_space<vmem>>
    %dma_start3A_54 = tpu.memref_squeeze %dma_start3A_53 : memref<1x64xi32, #tpu.memory_space<vmem>> -> memref<64xi32, #tpu.memory_space<vmem>>
    %dma_start3A_55 = arith.constant 0 : i32
    %dma_start3A_56 = arith.constant 0 : i32
    %dma_start3A_57 = tpu.memref_slice %arg3[%dma_start3A_55, %dma_start3A_56] : memref<23236x768xf32, #tpu.memory_space<hbm>> -> memref<23236x768xf32, #tpu.memory_space<hbm>>
    tpu.enqueue_indirect_dma source(%dma_start3A_57 : memref<23236x768xf32, #tpu.memory_space<hbm>>) target(%dma_start3A_51 : memref<64x768xf32, #tpu.memory_space<vmem>>) offsets(%dma_start3A_54 : memref<64xi32, #tpu.memory_space<vmem>>) semaphore(%arg7 : memref<!tpu.dma_semaphore, #tpu.memory_space<semaphore_mem>>)
    %dma_wait3A_58 = arith.constant 1 : i32
    %dma_wait3A_59 = arith.constant 1 : i32
    %dma_wait3A_60 = arith.constant 0 : i32
    %dma_wait3A_61 = arith.constant 0 : i32
    %dma_wait3A_62 = tpu.memref_slice %arg6[%dma_wait3A_59, %dma_wait3A_60, %dma_wait3A_61] : memref<2x64x768xf32, #tpu.memory_space<vmem>> -> memref<1x64x768xf32, #tpu.memory_space<vmem>>
    %dma_wait3A_63 = tpu.memref_squeeze %dma_wait3A_62 : memref<1x64x768xf32, #tpu.memory_space<vmem>> -> memref<64x768xf32, #tpu.memory_space<vmem>>
    %dma_wait3A_64 = arith.constant 0 : i32
    %dma_wait3A_65 = tpu.memref_slice %arg5[%dma_wait3A_58, %dma_wait3A_64] : memref<2x64xi32, #tpu.memory_space<vmem>> -> memref<1x64xi32, #tpu.memory_space<vmem>>
    %dma_wait3A_66 = tpu.memref_squeeze %dma_wait3A_65 : memref<1x64xi32, #tpu.memory_space<vmem>> -> memref<64xi32, #tpu.memory_space<vmem>>
    %dma_wait3A_67 = arith.constant 0 : i32
    %dma_wait3A_68 = arith.constant 0 : i32
    %dma_wait3A_69 = tpu.memref_slice %arg3[%dma_wait3A_67, %dma_wait3A_68] : memref<23236x768xf32, #tpu.memory_space<hbm>> -> memref<23236x768xf32, #tpu.memory_space<hbm>>
    tpu.wait_indirect_dma semaphore(%arg8 : memref<!tpu.dma_semaphore, #tpu.memory_space<semaphore_mem>>) src(%dma_wait3A_69 : memref<23236x768xf32, #tpu.memory_space<hbm>>) dst(%dma_wait3A_63 : memref<64x768xf32, #tpu.memory_space<vmem>>)
    %add3A_70 = arith.constant 64 : i32
    %add3A_71 = arith.addi %mul3A_2, %add3A_70 : i32
    %run_scoped3A_72 = arith.constant 1 : i32
    "tpu.region"() ({
      %run_scoped3A_118 = tpu.sem_alloc : memref<!tpu.dma_semaphore, #tpu.memory_space<semaphore_mem>>
      %dma_start3A_119 = arith.constant 0 : i32
      %dma_start3A_120 = arith.constant 0 : i32
      %dma_start3A_121 = tpu.memref_slice %arg6[%run_scoped3A_72, %dma_start3A_119, %dma_start3A_120] : memref<2x64x768xf32, #tpu.memory_space<vmem>> -> memref<1x64x768xf32, #tpu.memory_space<vmem>>
      %dma_start3A_122 = tpu.memref_squeeze %dma_start3A_121 : memref<1x64x768xf32, #tpu.memory_space<vmem>> -> memref<64x768xf32, #tpu.memory_space<vmem>>
      %dma_start3A_123 = arith.constant 0 : i32
      %dma_start3A_124 = tpu.memref_slice %arg4[%add3A_71, %dma_start3A_123] : memref<8192x768xf32, #tpu.memory_space<hbm>> -> memref<64x768xf32, #tpu.memory_space<hbm>>
      %dma_start3A_125 = arith.constant 0 : i32
      %dma_start3A_126 = tpu.memref_slice %arg4[%add3A_71, %dma_start3A_125] : memref<8192x768xf32, #tpu.memory_space<hbm>> -> memref<64x768xf32, #tpu.memory_space<hbm>>
      %dma_start3A_127 = arith.constant 0 : i32
      %dma_start3A_128 = arith.constant 0 : i32
      %dma_start3A_129 = tpu.memref_slice %arg6[%run_scoped3A_72, %dma_start3A_127, %dma_start3A_128] : memref<2x64x768xf32, #tpu.memory_space<vmem>> -> memref<1x64x768xf32, #tpu.memory_space<vmem>>
      %dma_start3A_130 = tpu.memref_squeeze %dma_start3A_129 : memref<1x64x768xf32, #tpu.memory_space<vmem>> -> memref<64x768xf32, #tpu.memory_space<vmem>>
      tpu.enqueue_dma source(%dma_start3A_130 : memref<64x768xf32, #tpu.memory_space<vmem>>) target(%dma_start3A_126 : memref<64x768xf32, #tpu.memory_space<hbm>>) target_semaphore(%run_scoped3A_118 : memref<!tpu.dma_semaphore, #tpu.memory_space<semaphore_mem>>)
      %dma_wait3A_131 = arith.constant 0 : i32
      %dma_wait3A_132 = arith.constant 0 : i32
      %dma_wait3A_133 = tpu.memref_slice %arg6[%run_scoped3A_72, %dma_wait3A_131, %dma_wait3A_132] : memref<2x64x768xf32, #tpu.memory_space<vmem>> -> memref<1x64x768xf32, #tpu.memory_space<vmem>>
      %dma_wait3A_134 = tpu.memref_squeeze %dma_wait3A_133 : memref<1x64x768xf32, #tpu.memory_space<vmem>> -> memref<64x768xf32, #tpu.memory_space<vmem>>
      %dma_wait3A_135 = arith.constant 0 : i32
      %dma_wait3A_136 = tpu.memref_slice %arg4[%add3A_71, %dma_wait3A_135] : memref<8192x768xf32, #tpu.memory_space<hbm>> -> memref<64x768xf32, #tpu.memory_space<hbm>>
      %dma_wait3A_137 = arith.constant 0 : i32
      %dma_wait3A_138 = tpu.memref_slice %arg4[%add3A_71, %dma_wait3A_137] : memref<8192x768xf32, #tpu.memory_space<hbm>> -> memref<64x768xf32, #tpu.memory_space<hbm>>
      %dma_wait3A_139 = arith.constant 0 : i32
      %dma_wait3A_140 = arith.constant 0 : i32
      %dma_wait3A_141 = tpu.memref_slice %arg6[%run_scoped3A_72, %dma_wait3A_139, %dma_wait3A_140] : memref<2x64x768xf32, #tpu.memory_space<vmem>> -> memref<1x64x768xf32, #tpu.memory_space<vmem>>
      %dma_wait3A_142 = tpu.memref_squeeze %dma_wait3A_141 : memref<1x64x768xf32, #tpu.memory_space<vmem>> -> memref<64x768xf32, #tpu.memory_space<vmem>>
      tpu.wait_dma2 semaphore(%run_scoped3A_118 : memref<!tpu.dma_semaphore, #tpu.memory_space<semaphore_mem>>) src(%dma_wait3A_142 : memref<64x768xf32, #tpu.memory_space<vmem>>) dst(%dma_wait3A_138 : memref<64x768xf32, #tpu.memory_space<hbm>>)
      tpu.yield
    }) : () -> ()
    %add3A_73 = arith.constant 192 : i32
    %add3A_74 = arith.addi %mul3A_2, %add3A_73 : i32
    %run_scoped3A_75 = arith.constant 1 : i32
    "tpu.region"() ({
      %run_scoped3A_118 = tpu.sem_alloc : memref<!tpu.dma_semaphore, #tpu.memory_space<semaphore_mem>>
      %dma_start3A_119 = arith.constant 0 : i32
      %dma_start3A_120 = tpu.memref_slice %arg5[%run_scoped3A_75, %dma_start3A_119] : memref<2x64xi32, #tpu.memory_space<vmem>> -> memref<1x64xi32, #tpu.memory_space<vmem>>
      %dma_start3A_121 = tpu.memref_squeeze %dma_start3A_120 : memref<1x64xi32, #tpu.memory_space<vmem>> -> memref<64xi32, #tpu.memory_space<vmem>>
      %dma_start3A_122 = tpu.memref_slice %arg2[%add3A_74] : memref<8192xi32, #tpu.memory_space<hbm>> -> memref<64xi32, #tpu.memory_space<hbm>>
      %dma_start3A_123 = arith.constant 0 : i32
      %dma_start3A_124 = tpu.memref_slice %arg5[%run_scoped3A_75, %dma_start3A_123] : memref<2x64xi32, #tpu.memory_space<vmem>> -> memref<1x64xi32, #tpu.memory_space<vmem>>
      %dma_start3A_125 = tpu.memref_squeeze %dma_start3A_124 : memref<1x64xi32, #tpu.memory_space<vmem>> -> memref<64xi32, #tpu.memory_space<vmem>>
      %dma_start3A_126 = tpu.memref_slice %arg2[%add3A_74] : memref<8192xi32, #tpu.memory_space<hbm>> -> memref<64xi32, #tpu.memory_space<hbm>>
      tpu.enqueue_dma source(%dma_start3A_126 : memref<64xi32, #tpu.memory_space<hbm>>) target(%dma_start3A_125 : memref<64xi32, #tpu.memory_space<vmem>>) target_semaphore(%run_scoped3A_118 : memref<!tpu.dma_semaphore, #tpu.memory_space<semaphore_mem>>)
      %dma_wait3A_127 = arith.constant 0 : i32
      %dma_wait3A_128 = tpu.memref_slice %arg5[%run_scoped3A_75, %dma_wait3A_127] : memref<2x64xi32, #tpu.memory_space<vmem>> -> memref<1x64xi32, #tpu.memory_space<vmem>>
      %dma_wait3A_129 = tpu.memref_squeeze %dma_wait3A_128 : memref<1x64xi32, #tpu.memory_space<vmem>> -> memref<64xi32, #tpu.memory_space<vmem>>
      %dma_wait3A_130 = tpu.memref_slice %arg2[%add3A_74] : memref<8192xi32, #tpu.memory_space<hbm>> -> memref<64xi32, #tpu.memory_space<hbm>>
      %dma_wait3A_131 = arith.constant 0 : i32
      %dma_wait3A_132 = tpu.memref_slice %arg5[%run_scoped3A_75, %dma_wait3A_131] : memref<2x64xi32, #tpu.memory_space<vmem>> -> memref<1x64xi32, #tpu.memory_space<vmem>>
      %dma_wait3A_133 = tpu.memref_squeeze %dma_wait3A_132 : memref<1x64xi32, #tpu.memory_space<vmem>> -> memref<64xi32, #tpu.memory_space<vmem>>
      %dma_wait3A_134 = tpu.memref_slice %arg2[%add3A_74] : memref<8192xi32, #tpu.memory_space<hbm>> -> memref<64xi32, #tpu.memory_space<hbm>>
      tpu.wait_dma2 semaphore(%run_scoped3A_118 : memref<!tpu.dma_semaphore, #tpu.memory_space<semaphore_mem>>) src(%dma_wait3A_134 : memref<64xi32, #tpu.memory_space<hbm>>) dst(%dma_wait3A_133 : memref<64xi32, #tpu.memory_space<vmem>>)
      tpu.yield
    }) : () -> ()
    %dma_start3A_76 = arith.constant 1 : i32
    %dma_start3A_77 = arith.constant 1 : i32
    %dma_start3A_78 = arith.constant 0 : i32
    %dma_start3A_79 = arith.constant 0 : i32
    %dma_start3A_80 = tpu.memref_slice %arg6[%dma_start3A_77, %dma_start3A_78, %dma_start3A_79] : memref<2x64x768xf32, #tpu.memory_space<vmem>> -> memref<1x64x768xf32, #tpu.memory_space<vmem>>
    %dma_start3A_81 = tpu.memref_squeeze %dma_start3A_80 : memref<1x64x768xf32, #tpu.memory_space<vmem>> -> memref<64x768xf32, #tpu.memory_space<vmem>>
    %dma_start3A_82 = arith.constant 0 : i32
    %dma_start3A_83 = tpu.memref_slice %arg5[%dma_start3A_76, %dma_start3A_82] : memref<2x64xi32, #tpu.memory_space<vmem>> -> memref<1x64xi32, #tpu.memory_space<vmem>>
    %dma_start3A_84 = tpu.memref_squeeze %dma_start3A_83 : memref<1x64xi32, #tpu.memory_space<vmem>> -> memref<64xi32, #tpu.memory_space<vmem>>
    %dma_start3A_85 = arith.constant 0 : i32
    %dma_start3A_86 = arith.constant 0 : i32
    %dma_start3A_87 = tpu.memref_slice %arg3[%dma_start3A_85, %dma_start3A_86] : memref<23236x768xf32, #tpu.memory_space<hbm>> -> memref<23236x768xf32, #tpu.memory_space<hbm>>
    tpu.enqueue_indirect_dma source(%dma_start3A_87 : memref<23236x768xf32, #tpu.memory_space<hbm>>) target(%dma_start3A_81 : memref<64x768xf32, #tpu.memory_space<vmem>>) offsets(%dma_start3A_84 : memref<64xi32, #tpu.memory_space<vmem>>) semaphore(%arg8 : memref<!tpu.dma_semaphore, #tpu.memory_space<semaphore_mem>>)
    %dma_wait3A_88 = arith.constant 0 : i32
    %dma_wait3A_89 = arith.constant 0 : i32
    %dma_wait3A_90 = arith.constant 0 : i32
    %dma_wait3A_91 = arith.constant 0 : i32
    %dma_wait3A_92 = tpu.memref_slice %arg6[%dma_wait3A_89, %dma_wait3A_90, %dma_wait3A_91] : memref<2x64x768xf32, #tpu.memory_space<vmem>> -> memref<1x64x768xf32, #tpu.memory_space<vmem>>
    %dma_wait3A_93 = tpu.memref_squeeze %dma_wait3A_92 : memref<1x64x768xf32, #tpu.memory_space<vmem>> -> memref<64x768xf32, #tpu.memory_space<vmem>>
    %dma_wait3A_94 = arith.constant 0 : i32
    %dma_wait3A_95 = tpu.memref_slice %arg5[%dma_wait3A_88, %dma_wait3A_94] : memref<2x64xi32, #tpu.memory_space<vmem>> -> memref<1x64xi32, #tpu.memory_space<vmem>>
    %dma_wait3A_96 = tpu.memref_squeeze %dma_wait3A_95 : memref<1x64xi32, #tpu.memory_space<vmem>> -> memref<64xi32, #tpu.memory_space<vmem>>
    %dma_wait3A_97 = arith.constant 0 : i32
    %dma_wait3A_98 = arith.constant 0 : i32
    %dma_wait3A_99 = tpu.memref_slice %arg3[%dma_wait3A_97, %dma_wait3A_98] : memref<23236x768xf32, #tpu.memory_space<hbm>> -> memref<23236x768xf32, #tpu.memory_space<hbm>>
    tpu.wait_indirect_dma semaphore(%arg7 : memref<!tpu.dma_semaphore, #tpu.memory_space<semaphore_mem>>) src(%dma_wait3A_99 : memref<23236x768xf32, #tpu.memory_space<hbm>>) dst(%dma_wait3A_93 : memref<64x768xf32, #tpu.memory_space<vmem>>)
    %add3A_100 = arith.constant 128 : i32
    %add3A_101 = arith.addi %mul3A_2, %add3A_100 : i32
    %run_scoped3A_102 = arith.constant 0 : i32
    "tpu.region"() ({
      %run_scoped3A_118 = tpu.sem_alloc : memref<!tpu.dma_semaphore, #tpu.memory_space<semaphore_mem>>
      %dma_start3A_119 = arith.constant 0 : i32
      %dma_start3A_120 = arith.constant 0 : i32
      %dma_start3A_121 = tpu.memref_slice %arg6[%run_scoped3A_102, %dma_start3A_119, %dma_start3A_120] : memref<2x64x768xf32, #tpu.memory_space<vmem>> -> memref<1x64x768xf32, #tpu.memory_space<vmem>>
      %dma_start3A_122 = tpu.memref_squeeze %dma_start3A_121 : memref<1x64x768xf32, #tpu.memory_space<vmem>> -> memref<64x768xf32, #tpu.memory_space<vmem>>
      %dma_start3A_123 = arith.constant 0 : i32
      %dma_start3A_124 = tpu.memref_slice %arg4[%add3A_101, %dma_start3A_123] : memref<8192x768xf32, #tpu.memory_space<hbm>> -> memref<64x768xf32, #tpu.memory_space<hbm>>
      %dma_start3A_125 = arith.constant 0 : i32
      %dma_start3A_126 = tpu.memref_slice %arg4[%add3A_101, %dma_start3A_125] : memref<8192x768xf32, #tpu.memory_space<hbm>> -> memref<64x768xf32, #tpu.memory_space<hbm>>
      %dma_start3A_127 = arith.constant 0 : i32
      %dma_start3A_128 = arith.constant 0 : i32
      %dma_start3A_129 = tpu.memref_slice %arg6[%run_scoped3A_102, %dma_start3A_127, %dma_start3A_128] : memref<2x64x768xf32, #tpu.memory_space<vmem>> -> memref<1x64x768xf32, #tpu.memory_space<vmem>>
      %dma_start3A_130 = tpu.memref_squeeze %dma_start3A_129 : memref<1x64x768xf32, #tpu.memory_space<vmem>> -> memref<64x768xf32, #tpu.memory_space<vmem>>
      tpu.enqueue_dma source(%dma_start3A_130 : memref<64x768xf32, #tpu.memory_space<vmem>>) target(%dma_start3A_126 : memref<64x768xf32, #tpu.memory_space<hbm>>) target_semaphore(%run_scoped3A_118 : memref<!tpu.dma_semaphore, #tpu.memory_space<semaphore_mem>>)
      %dma_wait3A_131 = arith.constant 0 : i32
      %dma_wait3A_132 = arith.constant 0 : i32
      %dma_wait3A_133 = tpu.memref_slice %arg6[%run_scoped3A_102, %dma_wait3A_131, %dma_wait3A_132] : memref<2x64x768xf32, #tpu.memory_space<vmem>> -> memref<1x64x768xf32, #tpu.memory_space<vmem>>
      %dma_wait3A_134 = tpu.memref_squeeze %dma_wait3A_133 : memref<1x64x768xf32, #tpu.memory_space<vmem>> -> memref<64x768xf32, #tpu.memory_space<vmem>>
      %dma_wait3A_135 = arith.constant 0 : i32
      %dma_wait3A_136 = tpu.memref_slice %arg4[%add3A_101, %dma_wait3A_135] : memref<8192x768xf32, #tpu.memory_space<hbm>> -> memref<64x768xf32, #tpu.memory_space<hbm>>
      %dma_wait3A_137 = arith.constant 0 : i32
      %dma_wait3A_138 = tpu.memref_slice %arg4[%add3A_101, %dma_wait3A_137] : memref<8192x768xf32, #tpu.memory_space<hbm>> -> memref<64x768xf32, #tpu.memory_space<hbm>>
      %dma_wait3A_139 = arith.constant 0 : i32
      %dma_wait3A_140 = arith.constant 0 : i32
      %dma_wait3A_141 = tpu.memref_slice %arg6[%run_scoped3A_102, %dma_wait3A_139, %dma_wait3A_140] : memref<2x64x768xf32, #tpu.memory_space<vmem>> -> memref<1x64x768xf32, #tpu.memory_space<vmem>>
      %dma_wait3A_142 = tpu.memref_squeeze %dma_wait3A_141 : memref<1x64x768xf32, #tpu.memory_space<vmem>> -> memref<64x768xf32, #tpu.memory_space<vmem>>
      tpu.wait_dma2 semaphore(%run_scoped3A_118 : memref<!tpu.dma_semaphore, #tpu.memory_space<semaphore_mem>>) src(%dma_wait3A_142 : memref<64x768xf32, #tpu.memory_space<vmem>>) dst(%dma_wait3A_138 : memref<64x768xf32, #tpu.memory_space<hbm>>)
      tpu.yield
    }) : () -> ()
    %dma_wait3A_103 = arith.constant 1 : i32
    %dma_wait3A_104 = arith.constant 1 : i32
    %dma_wait3A_105 = arith.constant 0 : i32
    %dma_wait3A_106 = arith.constant 0 : i32
    %dma_wait3A_107 = tpu.memref_slice %arg6[%dma_wait3A_104, %dma_wait3A_105, %dma_wait3A_106] : memref<2x64x768xf32, #tpu.memory_space<vmem>> -> memref<1x64x768xf32, #tpu.memory_space<vmem>>
    %dma_wait3A_108 = tpu.memref_squeeze %dma_wait3A_107 : memref<1x64x768xf32, #tpu.memory_space<vmem>> -> memref<64x768xf32, #tpu.memory_space<vmem>>
    %dma_wait3A_109 = arith.constant 0 : i32
    %dma_wait3A_110 = tpu.memref_slice %arg5[%dma_wait3A_103, %dma_wait3A_109] : memref<2x64xi32, #tpu.memory_space<vmem>> -> memref<1x64xi32, #tpu.memory_space<vmem>>
    %dma_wait3A_111 = tpu.memref_squeeze %dma_wait3A_110 : memref<1x64xi32, #tpu.memory_space<vmem>> -> memref<64xi32, #tpu.memory_space<vmem>>
    %dma_wait3A_112 = arith.constant 0 : i32
    %dma_wait3A_113 = arith.constant 0 : i32
    %dma_wait3A_114 = tpu.memref_slice %arg3[%dma_wait3A_112, %dma_wait3A_113] : memref<23236x768xf32, #tpu.memory_space<hbm>> -> memref<23236x768xf32, #tpu.memory_space<hbm>>
    tpu.wait_indirect_dma semaphore(%arg8 : memref<!tpu.dma_semaphore, #tpu.memory_space<semaphore_mem>>) src(%dma_wait3A_114 : memref<23236x768xf32, #tpu.memory_space<hbm>>) dst(%dma_wait3A_108 : memref<64x768xf32, #tpu.memory_space<vmem>>)
    %add3A_115 = arith.constant 192 : i32
    %add3A_116 = arith.addi %mul3A_2, %add3A_115 : i32
    %run_scoped3A_117 = arith.constant 1 : i32
    "tpu.region"() ({
      %run_scoped3A_118 = tpu.sem_alloc : memref<!tpu.dma_semaphore, #tpu.memory_space<semaphore_mem>>
      %dma_start3A_119 = arith.constant 0 : i32
      %dma_start3A_120 = arith.constant 0 : i32
      %dma_start3A_121 = tpu.memref_slice %arg6[%run_scoped3A_117, %dma_start3A_119, %dma_start3A_120] : memref<2x64x768xf32, #tpu.memory_space<vmem>> -> memref<1x64x768xf32, #tpu.memory_space<vmem>>
      %dma_start3A_122 = tpu.memref_squeeze %dma_start3A_121 : memref<1x64x768xf32, #tpu.memory_space<vmem>> -> memref<64x768xf32, #tpu.memory_space<vmem>>
      %dma_start3A_123 = arith.constant 0 : i32
      %dma_start3A_124 = tpu.memref_slice %arg4[%add3A_116, %dma_start3A_123] : memref<8192x768xf32, #tpu.memory_space<hbm>> -> memref<64x768xf32, #tpu.memory_space<hbm>>
      %dma_start3A_125 = arith.constant 0 : i32
      %dma_start3A_126 = tpu.memref_slice %arg4[%add3A_116, %dma_start3A_125] : memref<8192x768xf32, #tpu.memory_space<hbm>> -> memref<64x768xf32, #tpu.memory_space<hbm>>
      %dma_start3A_127 = arith.constant 0 : i32
      %dma_start3A_128 = arith.constant 0 : i32
      %dma_start3A_129 = tpu.memref_slice %arg6[%run_scoped3A_117, %dma_start3A_127, %dma_start3A_128] : memref<2x64x768xf32, #tpu.memory_space<vmem>> -> memref<1x64x768xf32, #tpu.memory_space<vmem>>
      %dma_start3A_130 = tpu.memref_squeeze %dma_start3A_129 : memref<1x64x768xf32, #tpu.memory_space<vmem>> -> memref<64x768xf32, #tpu.memory_space<vmem>>
      tpu.enqueue_dma source(%dma_start3A_130 : memref<64x768xf32, #tpu.memory_space<vmem>>) target(%dma_start3A_126 : memref<64x768xf32, #tpu.memory_space<hbm>>) target_semaphore(%run_scoped3A_118 : memref<!tpu.dma_semaphore, #tpu.memory_space<semaphore_mem>>)
      %dma_wait3A_131 = arith.constant 0 : i32
      %dma_wait3A_132 = arith.constant 0 : i32
      %dma_wait3A_133 = tpu.memref_slice %arg6[%run_scoped3A_117, %dma_wait3A_131, %dma_wait3A_132] : memref<2x64x768xf32, #tpu.memory_space<vmem>> -> memref<1x64x768xf32, #tpu.memory_space<vmem>>
      %dma_wait3A_134 = tpu.memref_squeeze %dma_wait3A_133 : memref<1x64x768xf32, #tpu.memory_space<vmem>> -> memref<64x768xf32, #tpu.memory_space<vmem>>
      %dma_wait3A_135 = arith.constant 0 : i32
      %dma_wait3A_136 = tpu.memref_slice %arg4[%add3A_116, %dma_wait3A_135] : memref<8192x768xf32, #tpu.memory_space<hbm>> -> memref<64x768xf32, #tpu.memory_space<hbm>>
      %dma_wait3A_137 = arith.constant 0 : i32
      %dma_wait3A_138 = tpu.memref_slice %arg4[%add3A_116, %dma_wait3A_137] : memref<8192x768xf32, #tpu.memory_space<hbm>> -> memref<64x768xf32, #tpu.memory_space<hbm>>
      %dma_wait3A_139 = arith.constant 0 : i32
      %dma_wait3A_140 = arith.constant 0 : i32
      %dma_wait3A_141 = tpu.memref_slice %arg6[%run_scoped3A_117, %dma_wait3A_139, %dma_wait3A_140] : memref<2x64x768xf32, #tpu.memory_space<vmem>> -> memref<1x64x768xf32, #tpu.memory_space<vmem>>
      %dma_wait3A_142 = tpu.memref_squeeze %dma_wait3A_141 : memref<1x64x768xf32, #tpu.memory_space<vmem>> -> memref<64x768xf32, #tpu.memory_space<vmem>>
      tpu.wait_dma2 semaphore(%run_scoped3A_118 : memref<!tpu.dma_semaphore, #tpu.memory_space<semaphore_mem>>) src(%dma_wait3A_142 : memref<64x768xf32, #tpu.memory_space<vmem>>) dst(%dma_wait3A_138 : memref<64x768xf32, #tpu.memory_space<hbm>>)
      tpu.yield
    }) : () -> ()
    return
  }
}

module attributes {stable_mosaic.version = 14 : i64} {
  func.func @_pg_body(%arg0: i32, %arg1: memref<1728x1024xf32, #tpu.memory_space<vmem>>, %arg2: memref<1728x768xbf16, #tpu.memory_space<vmem>>, %arg3: memref<1x768xf32, #tpu.memory_space<vmem>>, %arg4: memref<1024x768xf32, #tpu.memory_space<vmem>>) attributes {dimension_semantics = [#tpu.dimension_semantics<arbitrary>], iteration_bounds = array<i64: 23>, scalar_prefetch = 0 : i64, scratch_operands = 0 : i64, tpu.core_type = #tpu.core_type<tc>, window_params = [{transform_indices = @transform_0, window_bounds = array<i64: 1728, 1024>}, {pipeline_mode = #tpu.pipeline_mode<synchronous>, transform_indices = @transform_1, window_bounds = array<i64: 1728, 768>}, {pipeline_mode = #tpu.pipeline_mode<synchronous>, transform_indices = @transform_2, window_bounds = array<i64: 1, 768>}, {transform_indices = @transform_3, window_bounds = array<i64: 1024, 768>}]} {
    %get3A = arith.constant 0 : index
    %get3A_0 = arith.constant 0 : index
    %get3A_1 = vector.load %arg1[%get3A, %get3A_0] : memref<1728x1024xf32, #tpu.memory_space<vmem>>, vector<1728x1024xf32>
    %convert_element_type3A = arith.truncf %get3A_1 : vector<1728x1024xf32> to vector<1728x1024xbf16>
    %get3A_2 = arith.constant 0 : index
    %get3A_3 = arith.constant 0 : index
    %get3A_4 = vector.load %arg2[%get3A_2, %get3A_3] : memref<1728x768xbf16, #tpu.memory_space<vmem>>, vector<1728x768xbf16>
    %dot_general3A = arith.constant dense<0.000000e+00> : vector<1024x768xf32>
    %dot_general3A_5 = tpu.matmul %convert_element_type3A, %get3A_4, %dot_general3A {dimension_numbers = #tpu.dot_dimension_numbers<[0], [0], [1], [1], [0, 1, 1, 1], [], []>, transpose_lhs_hint = false} : vector<1728x1024xbf16>, vector<1728x768xbf16>, vector<1024x768xf32> -> vector<1024x768xf32>
    %get3A_6 = arith.constant 0 : index
    %get3A_7 = arith.constant 0 : index
    %get3A_8 = vector.load %arg3[%get3A_6, %get3A_7] : memref<1x768xf32, #tpu.memory_space<vmem>>, vector<1x768xf32>
    %add3A = vector.broadcast %get3A_8 : vector<1x768xf32> to vector<1024x768xf32>
    %add3A_9 = arith.addf %dot_general3A_5, %add3A : vector<1024x768xf32>
    %swap3A = arith.constant 0 : index
    %swap3A_10 = arith.constant 0 : index
    %swap3A_11 = vector.load %arg4[%swap3A, %swap3A_10] : memref<1024x768xf32, #tpu.memory_space<vmem>>, vector<1024x768xf32>
    tpu.vector_store %arg4[%swap3A, %swap3A_10], %add3A_9 {strides = array<i32>} : memref<1024x768xf32, #tpu.memory_space<vmem>>, vector<1024x768xf32>,
    return
  }
  func.func @transform_0(%arg0: i32) -> (i32, i32) {
    %c0_i32 = arith.constant 0 : i32
    %c0_i32_0 = arith.constant 0 : i32
    return %c0_i32, %arg0 : i32, i32
  }
  func.func @transform_1(%arg0: i32) -> (i32, i32) {
    %c0_i32 = arith.constant 0 : i32
    %c0_i32_0 = arith.constant 0 : i32
    %c0_i32_1 = arith.constant 0 : i32
    return %c0_i32, %c0_i32_0 : i32, i32
  }
  func.func @transform_2(%arg0: i32) -> (i32, i32) {
    %c0_i32 = arith.constant 0 : i32
    %c0_i32_0 = arith.constant 0 : i32
    %c0_i32_1 = arith.constant 0 : i32
    return %c0_i32, %c0_i32_0 : i32, i32
  }
  func.func @transform_3(%arg0: i32) -> (i32, i32) {
    %c0_i32 = arith.constant 0 : i32
    %c0_i32_0 = arith.constant 0 : i32
    return %arg0, %c0_i32 : i32, i32
  }
}

module attributes {stable_mosaic.version = 14 : i64} {
  func.func @_tc_body(%arg0: i32, %arg1: memref<512x8xi32, #tpu.memory_space<vmem>>, %arg2: memref<32x128xbf16, #tpu.memory_space<vmem>>, %arg3: memref<768x128xbf16, #tpu.memory_space<vmem>>, %arg4: memref<768x128xbf16, #tpu.memory_space<vmem>>, %arg5: memref<1x768xf32, #tpu.memory_space<vmem>>, %arg6: memref<2x768xf32, #tpu.memory_space<vmem>>, %arg7: memref<512x768xf32, #tpu.memory_space<vmem>>, %arg8: memref<512x768xf32, #tpu.memory_space<vmem>>) attributes {dimension_semantics = [#tpu.dimension_semantics<arbitrary>], iteration_bounds = array<i64: 16>, scalar_prefetch = 0 : i64, scratch_operands = 0 : i64, tpu.core_type = #tpu.core_type<tc>, window_params = [{transform_indices = @transform_0, window_bounds = array<i64: 512, 8>}, {pipeline_mode = #tpu.pipeline_mode<synchronous>, transform_indices = @transform_1, window_bounds = array<i64: 32, 128>}, {pipeline_mode = #tpu.pipeline_mode<synchronous>, transform_indices = @transform_2, window_bounds = array<i64: 768, 128>}, {pipeline_mode = #tpu.pipeline_mode<synchronous>, transform_indices = @transform_3, window_bounds = array<i64: 768, 128>}, {pipeline_mode = #tpu.pipeline_mode<synchronous>, transform_indices = @transform_4, window_bounds = array<i64: 1, 768>}, {pipeline_mode = #tpu.pipeline_mode<synchronous>, transform_indices = @transform_5, window_bounds = array<i64: 2, 768>}, {transform_indices = @transform_6, window_bounds = array<i64: 512, 768>}, {transform_indices = @transform_7, window_bounds = array<i64: 512, 768>}]} {
    %get3A = arith.constant 0 : index
    %get3A_0 = arith.constant 0 : index
    %get3A_1 = vector.load %arg2[%get3A, %get3A_0] : memref<32x128xbf16, #tpu.memory_space<vmem>>, vector<32x128xbf16>
    %get3A_2 = arith.constant 0 : index
    %get3A_3 = arith.constant 0 : index
    %get3A_4 = vector.load %arg3[%get3A_2, %get3A_3] : memref<768x128xbf16, #tpu.memory_space<vmem>>, vector<768x128xbf16>
    %dot_general3A = arith.constant dense<0.000000e+00> : vector<32x768xf32>
    %dot_general3A_5 = tpu.matmul %get3A_1, %get3A_4, %dot_general3A {dimension_numbers = #tpu.dot_dimension_numbers<[1], [1], [0], [0], [0, 0, 1, 0], [], []>, transpose_lhs_hint = false} : vector<32x128xbf16>, vector<768x128xbf16>, vector<32x768xf32> -> vector<32x768xf32>
    %convert_element_type3A = arith.truncf %dot_general3A_5 : vector<32x768xf32> to vector<32x768xbf16>
    %get3A_6 = arith.constant 0 : index
    %get3A_7 = arith.constant 0 : index
    %get3A_8 = vector.load %arg2[%get3A_6, %get3A_7] : memref<32x128xbf16, #tpu.memory_space<vmem>>, vector<32x128xbf16>
    %get3A_9 = arith.constant 0 : index
    %get3A_10 = arith.constant 0 : index
    %get3A_11 = vector.load %arg4[%get3A_9, %get3A_10] : memref<768x128xbf16, #tpu.memory_space<vmem>>, vector<768x128xbf16>
    %dot_general3A_12 = arith.constant dense<0.000000e+00> : vector<32x768xf32>
    %dot_general3A_13 = tpu.matmul %get3A_8, %get3A_11, %dot_general3A_12 {dimension_numbers = #tpu.dot_dimension_numbers<[1], [1], [0], [0], [0, 0, 1, 0], [], []>, transpose_lhs_hint = false} : vector<32x128xbf16>, vector<768x128xbf16>, vector<32x768xf32> -> vector<32x768xf32>
    %convert_element_type3A_14 = arith.truncf %dot_general3A_13 : vector<32x768xf32> to vector<32x768xbf16>
    %get3A_15 = arith.constant 0 : index
    %get3A_16 = arith.constant 0 : index
    %get3A_17 = vector.load %arg1[%get3A_15, %get3A_16] : memref<512x8xi32, #tpu.memory_space<vmem>>, vector<512x8xi32>
    %iota3A = tpu.iota {dimensions = array<i32: 1>} : vector<512x64xi32>
    %and3A = arith.constant 31 : i32
    %and3A_18 = vector.broadcast %and3A : i32 to vector<512x64xi32>
    %and3A_19 = arith.andi %iota3A, %and3A_18 : vector<512x64xi32>
    %ge3A = arith.constant 32 : i32
    %ge3A_20 = vector.broadcast %ge3A : i32 to vector<512x64xi32>
    %ge3A_21 = arith.cmpi sge, %iota3A, %ge3A_20 : vector<512x64xi32>
    %concatenate3A = tpu.concatenate %convert_element_type3A, %convert_element_type3A_14 in 0 : vector<32x768xbf16>, vector<32x768xbf16> -> vector<64x768xbf16>
    %slice3A = vector.extract_strided_slice %get3A_17 {offsets = [0, 1], sizes = [512, 1], strides = [1, 1]} : vector<512x8xi32> to vector<512x1xi32>
    %squeeze3A = vector.shape_cast %slice3A : vector<512x1xi32> to vector<512xi32>
    %broadcast_in_dim3A = vector.shape_cast %squeeze3A : vector<512xi32> to vector<512x1xi32>
    %slice3A_22 = vector.extract_strided_slice %get3A_17 {offsets = [0, 0], sizes = [512, 1], strides = [1, 1]} : vector<512x8xi32> to vector<512x1xi32>
    %squeeze3A_23 = vector.shape_cast %slice3A_22 : vector<512x1xi32> to vector<512xi32>
    %broadcast_in_dim3A_24 = vector.shape_cast %squeeze3A_23 : vector<512xi32> to vector<512x1xi32>
    %broadcast_in_dim3A_25 = vector.shape_cast %broadcast_in_dim3A : vector<512x1xi32> to vector<512x1xi32>
    %broadcast_in_dim3A_26 = vector.broadcast %broadcast_in_dim3A_25 : vector<512x1xi32> to vector<512x64xi32>
    %broadcast_in_dim3A_27 = vector.shape_cast %broadcast_in_dim3A_24 : vector<512x1xi32> to vector<512x1xi32>
    %broadcast_in_dim3A_28 = vector.broadcast %broadcast_in_dim3A_27 : vector<512x1xi32> to vector<512x64xi32>
    %select_n3A = arith.select %ge3A_21, %broadcast_in_dim3A_26, %broadcast_in_dim3A_28 : vector<512x64xi1>, vector<512x64xi32>
    %eq3A = arith.cmpi eq, %and3A_19, %select_n3A : vector<512x64xi32>
    %convert_element_type3A_29 = arith.extui %eq3A : vector<512x64xi1> to vector<512x64xi32>
    %convert_element_type3A_30 = arith.sitofp %convert_element_type3A_29 : vector<512x64xi32> to vector<512x64xf32>
    %convert_element_type3A_31 = arith.truncf %convert_element_type3A_30 : vector<512x64xf32> to vector<512x64xbf16>
    %dot_general3A_32 = arith.constant dense<0.000000e+00> : vector<512x768xf32>
    %dot_general3A_33 = tpu.matmul %convert_element_type3A_31, %concatenate3A, %dot_general3A_32 {dimension_numbers = #tpu.dot_dimension_numbers<[1], [0], [0], [1], [0, 0, 1, 1], [], []>, transpose_lhs_hint = false} : vector<512x64xbf16>, vector<64x768xbf16>, vector<512x768xf32> -> vector<512x768xf32>
    %slice3A_34 = vector.extract_strided_slice %get3A_17 {offsets = [0, 2], sizes = [512, 1], strides = [1, 1]} : vector<512x8xi32> to vector<512x1xi32>
    %squeeze3A_35 = vector.shape_cast %slice3A_34 : vector<512x1xi32> to vector<512xi32>
    %broadcast_in_dim3A_36 = vector.shape_cast %squeeze3A_35 : vector<512xi32> to vector<512x1xi32>
    %slice3A_37 = vector.extract_strided_slice %get3A_17 {offsets = [0, 1], sizes = [512, 1], strides = [1, 1]} : vector<512x8xi32> to vector<512x1xi32>
    %squeeze3A_38 = vector.shape_cast %slice3A_37 : vector<512x1xi32> to vector<512xi32>
    %broadcast_in_dim3A_39 = vector.shape_cast %squeeze3A_38 : vector<512xi32> to vector<512x1xi32>
    %broadcast_in_dim3A_40 = vector.shape_cast %broadcast_in_dim3A_36 : vector<512x1xi32> to vector<512x1xi32>
    %broadcast_in_dim3A_41 = vector.broadcast %broadcast_in_dim3A_40 : vector<512x1xi32> to vector<512x64xi32>
    %broadcast_in_dim3A_42 = vector.shape_cast %broadcast_in_dim3A_39 : vector<512x1xi32> to vector<512x1xi32>
    %broadcast_in_dim3A_43 = vector.broadcast %broadcast_in_dim3A_42 : vector<512x1xi32> to vector<512x64xi32>
    %select_n3A_44 = arith.select %ge3A_21, %broadcast_in_dim3A_41, %broadcast_in_dim3A_43 : vector<512x64xi1>, vector<512x64xi32>
    %eq3A_45 = arith.cmpi eq, %and3A_19, %select_n3A_44 : vector<512x64xi32>
    %convert_element_type3A_46 = arith.extui %eq3A_45 : vector<512x64xi1> to vector<512x64xi32>
    %convert_element_type3A_47 = arith.sitofp %convert_element_type3A_46 : vector<512x64xi32> to vector<512x64xf32>
    %convert_element_type3A_48 = arith.truncf %convert_element_type3A_47 : vector<512x64xf32> to vector<512x64xbf16>
    %dot_general3A_49 = arith.constant dense<0.000000e+00> : vector<512x768xf32>
    %dot_general3A_50 = tpu.matmul %convert_element_type3A_48, %concatenate3A, %dot_general3A_49 {dimension_numbers = #tpu.dot_dimension_numbers<[1], [0], [0], [1], [0, 0, 1, 1], [], []>, transpose_lhs_hint = false} : vector<512x64xbf16>, vector<64x768xbf16>, vector<512x768xf32> -> vector<512x768xf32>
    %max3A = arith.maximumf %dot_general3A_33, %dot_general3A_50 : vector<512x768xf32>
    %slice3A_51 = vector.extract_strided_slice %get3A_17 {offsets = [0, 3], sizes = [512, 1], strides = [1, 1]} : vector<512x8xi32> to vector<512x1xi32>
    %squeeze3A_52 = vector.shape_cast %slice3A_51 : vector<512x1xi32> to vector<512xi32>
    %broadcast_in_dim3A_53 = vector.shape_cast %squeeze3A_52 : vector<512xi32> to vector<512x1xi32>
    %slice3A_54 = vector.extract_strided_slice %get3A_17 {offsets = [0, 2], sizes = [512, 1], strides = [1, 1]} : vector<512x8xi32> to vector<512x1xi32>
    %squeeze3A_55 = vector.shape_cast %slice3A_54 : vector<512x1xi32> to vector<512xi32>
    %broadcast_in_dim3A_56 = vector.shape_cast %squeeze3A_55 : vector<512xi32> to vector<512x1xi32>
    %broadcast_in_dim3A_57 = vector.shape_cast %broadcast_in_dim3A_53 : vector<512x1xi32> to vector<512x1xi32>
    %broadcast_in_dim3A_58 = vector.broadcast %broadcast_in_dim3A_57 : vector<512x1xi32> to vector<512x64xi32>
    %broadcast_in_dim3A_59 = vector.shape_cast %broadcast_in_dim3A_56 : vector<512x1xi32> to vector<512x1xi32>
    %broadcast_in_dim3A_60 = vector.broadcast %broadcast_in_dim3A_59 : vector<512x1xi32> to vector<512x64xi32>
    %select_n3A_61 = arith.select %ge3A_21, %broadcast_in_dim3A_58, %broadcast_in_dim3A_60 : vector<512x64xi1>, vector<512x64xi32>
    %eq3A_62 = arith.cmpi eq, %and3A_19, %select_n3A_61 : vector<512x64xi32>
    %convert_element_type3A_63 = arith.extui %eq3A_62 : vector<512x64xi1> to vector<512x64xi32>
    %convert_element_type3A_64 = arith.sitofp %convert_element_type3A_63 : vector<512x64xi32> to vector<512x64xf32>
    %convert_element_type3A_65 = arith.truncf %convert_element_type3A_64 : vector<512x64xf32> to vector<512x64xbf16>
    %dot_general3A_66 = arith.constant dense<0.000000e+00> : vector<512x768xf32>
    %dot_general3A_67 = tpu.matmul %convert_element_type3A_65, %concatenate3A, %dot_general3A_66 {dimension_numbers = #tpu.dot_dimension_numbers<[1], [0], [0], [1], [0, 0, 1, 1], [], []>, transpose_lhs_hint = false} : vector<512x64xbf16>, vector<64x768xbf16>, vector<512x768xf32> -> vector<512x768xf32>
    %max3A_68 = arith.maximumf %max3A, %dot_general3A_67 : vector<512x768xf32>
    %slice3A_69 = vector.extract_strided_slice %get3A_17 {offsets = [0, 4], sizes = [512, 1], strides = [1, 1]} : vector<512x8xi32> to vector<512x1xi32>
    %squeeze3A_70 = vector.shape_cast %slice3A_69 : vector<512x1xi32> to vector<512xi32>
    %broadcast_in_dim3A_71 = vector.shape_cast %squeeze3A_70 : vector<512xi32> to vector<512x1xi32>
    %slice3A_72 = vector.extract_strided_slice %get3A_17 {offsets = [0, 3], sizes = [512, 1], strides = [1, 1]} : vector<512x8xi32> to vector<512x1xi32>
    %squeeze3A_73 = vector.shape_cast %slice3A_72 : vector<512x1xi32> to vector<512xi32>
    %broadcast_in_dim3A_74 = vector.shape_cast %squeeze3A_73 : vector<512xi32> to vector<512x1xi32>
    %broadcast_in_dim3A_75 = vector.shape_cast %broadcast_in_dim3A_71 : vector<512x1xi32> to vector<512x1xi32>
    %broadcast_in_dim3A_76 = vector.broadcast %broadcast_in_dim3A_75 : vector<512x1xi32> to vector<512x64xi32>
    %broadcast_in_dim3A_77 = vector.shape_cast %broadcast_in_dim3A_74 : vector<512x1xi32> to vector<512x1xi32>
    %broadcast_in_dim3A_78 = vector.broadcast %broadcast_in_dim3A_77 : vector<512x1xi32> to vector<512x64xi32>
    %select_n3A_79 = arith.select %ge3A_21, %broadcast_in_dim3A_76, %broadcast_in_dim3A_78 : vector<512x64xi1>, vector<512x64xi32>
    %eq3A_80 = arith.cmpi eq, %and3A_19, %select_n3A_79 : vector<512x64xi32>
    %convert_element_type3A_81 = arith.extui %eq3A_80 : vector<512x64xi1> to vector<512x64xi32>
    %convert_element_type3A_82 = arith.sitofp %convert_element_type3A_81 : vector<512x64xi32> to vector<512x64xf32>
    %convert_element_type3A_83 = arith.truncf %convert_element_type3A_82 : vector<512x64xf32> to vector<512x64xbf16>
    %dot_general3A_84 = arith.constant dense<0.000000e+00> : vector<512x768xf32>
    %dot_general3A_85 = tpu.matmul %convert_element_type3A_83, %concatenate3A, %dot_general3A_84 {dimension_numbers = #tpu.dot_dimension_numbers<[1], [0], [0], [1], [0, 0, 1, 1], [], []>, transpose_lhs_hint = false} : vector<512x64xbf16>, vector<64x768xbf16>, vector<512x768xf32> -> vector<512x768xf32>
    %max3A_86 = arith.maximumf %max3A_68, %dot_general3A_85 : vector<512x768xf32>
    %slice3A_87 = vector.extract_strided_slice %get3A_17 {offsets = [0, 5], sizes = [512, 1], strides = [1, 1]} : vector<512x8xi32> to vector<512x1xi32>
    %squeeze3A_88 = vector.shape_cast %slice3A_87 : vector<512x1xi32> to vector<512xi32>
    %broadcast_in_dim3A_89 = vector.shape_cast %squeeze3A_88 : vector<512xi32> to vector<512x1xi32>
    %slice3A_90 = vector.extract_strided_slice %get3A_17 {offsets = [0, 4], sizes = [512, 1], strides = [1, 1]} : vector<512x8xi32> to vector<512x1xi32>
    %squeeze3A_91 = vector.shape_cast %slice3A_90 : vector<512x1xi32> to vector<512xi32>
    %broadcast_in_dim3A_92 = vector.shape_cast %squeeze3A_91 : vector<512xi32> to vector<512x1xi32>
    %broadcast_in_dim3A_93 = vector.shape_cast %broadcast_in_dim3A_89 : vector<512x1xi32> to vector<512x1xi32>
    %broadcast_in_dim3A_94 = vector.broadcast %broadcast_in_dim3A_93 : vector<512x1xi32> to vector<512x64xi32>
    %broadcast_in_dim3A_95 = vector.shape_cast %broadcast_in_dim3A_92 : vector<512x1xi32> to vector<512x1xi32>
    %broadcast_in_dim3A_96 = vector.broadcast %broadcast_in_dim3A_95 : vector<512x1xi32> to vector<512x64xi32>
    %select_n3A_97 = arith.select %ge3A_21, %broadcast_in_dim3A_94, %broadcast_in_dim3A_96 : vector<512x64xi1>, vector<512x64xi32>
    %eq3A_98 = arith.cmpi eq, %and3A_19, %select_n3A_97 : vector<512x64xi32>
    %convert_element_type3A_99 = arith.extui %eq3A_98 : vector<512x64xi1> to vector<512x64xi32>
    %convert_element_type3A_100 = arith.sitofp %convert_element_type3A_99 : vector<512x64xi32> to vector<512x64xf32>
    %convert_element_type3A_101 = arith.truncf %convert_element_type3A_100 : vector<512x64xf32> to vector<512x64xbf16>
    %dot_general3A_102 = arith.constant dense<0.000000e+00> : vector<512x768xf32>
    %dot_general3A_103 = tpu.matmul %convert_element_type3A_101, %concatenate3A, %dot_general3A_102 {dimension_numbers = #tpu.dot_dimension_numbers<[1], [0], [0], [1], [0, 0, 1, 1], [], []>, transpose_lhs_hint = false} : vector<512x64xbf16>, vector<64x768xbf16>, vector<512x768xf32> -> vector<512x768xf32>
    %max3A_104 = arith.maximumf %max3A_86, %dot_general3A_103 : vector<512x768xf32>
    %slice3A_105 = vector.extract_strided_slice %get3A_17 {offsets = [0, 6], sizes = [512, 1], strides = [1, 1]} : vector<512x8xi32> to vector<512x1xi32>
    %squeeze3A_106 = vector.shape_cast %slice3A_105 : vector<512x1xi32> to vector<512xi32>
    %broadcast_in_dim3A_107 = vector.shape_cast %squeeze3A_106 : vector<512xi32> to vector<512x1xi32>
    %slice3A_108 = vector.extract_strided_slice %get3A_17 {offsets = [0, 5], sizes = [512, 1], strides = [1, 1]} : vector<512x8xi32> to vector<512x1xi32>
    %squeeze3A_109 = vector.shape_cast %slice3A_108 : vector<512x1xi32> to vector<512xi32>
    %broadcast_in_dim3A_110 = vector.shape_cast %squeeze3A_109 : vector<512xi32> to vector<512x1xi32>
    %broadcast_in_dim3A_111 = vector.shape_cast %broadcast_in_dim3A_107 : vector<512x1xi32> to vector<512x1xi32>
    %broadcast_in_dim3A_112 = vector.broadcast %broadcast_in_dim3A_111 : vector<512x1xi32> to vector<512x64xi32>
    %broadcast_in_dim3A_113 = vector.shape_cast %broadcast_in_dim3A_110 : vector<512x1xi32> to vector<512x1xi32>
    %broadcast_in_dim3A_114 = vector.broadcast %broadcast_in_dim3A_113 : vector<512x1xi32> to vector<512x64xi32>
    %select_n3A_115 = arith.select %ge3A_21, %broadcast_in_dim3A_112, %broadcast_in_dim3A_114 : vector<512x64xi1>, vector<512x64xi32>
    %eq3A_116 = arith.cmpi eq, %and3A_19, %select_n3A_115 : vector<512x64xi32>
    %convert_element_type3A_117 = arith.extui %eq3A_116 : vector<512x64xi1> to vector<512x64xi32>
    %convert_element_type3A_118 = arith.sitofp %convert_element_type3A_117 : vector<512x64xi32> to vector<512x64xf32>
    %convert_element_type3A_119 = arith.truncf %convert_element_type3A_118 : vector<512x64xf32> to vector<512x64xbf16>
    %dot_general3A_120 = arith.constant dense<0.000000e+00> : vector<512x768xf32>
    %dot_general3A_121 = tpu.matmul %convert_element_type3A_119, %concatenate3A, %dot_general3A_120 {dimension_numbers = #tpu.dot_dimension_numbers<[1], [0], [0], [1], [0, 0, 1, 1], [], []>, transpose_lhs_hint = false} : vector<512x64xbf16>, vector<64x768xbf16>, vector<512x768xf32> -> vector<512x768xf32>
    %max3A_122 = arith.maximumf %max3A_104, %dot_general3A_121 : vector<512x768xf32>
    %slice3A_123 = vector.extract_strided_slice %get3A_17 {offsets = [0, 7], sizes = [512, 1], strides = [1, 1]} : vector<512x8xi32> to vector<512x1xi32>
    %squeeze3A_124 = vector.shape_cast %slice3A_123 : vector<512x1xi32> to vector<512xi32>
    %broadcast_in_dim3A_125 = vector.shape_cast %squeeze3A_124 : vector<512xi32> to vector<512x1xi32>
    %slice3A_126 = vector.extract_strided_slice %get3A_17 {offsets = [0, 6], sizes = [512, 1], strides = [1, 1]} : vector<512x8xi32> to vector<512x1xi32>
    %squeeze3A_127 = vector.shape_cast %slice3A_126 : vector<512x1xi32> to vector<512xi32>
    %broadcast_in_dim3A_128 = vector.shape_cast %squeeze3A_127 : vector<512xi32> to vector<512x1xi32>
    %broadcast_in_dim3A_129 = vector.shape_cast %broadcast_in_dim3A_125 : vector<512x1xi32> to vector<512x1xi32>
    %broadcast_in_dim3A_130 = vector.broadcast %broadcast_in_dim3A_129 : vector<512x1xi32> to vector<512x64xi32>
    %broadcast_in_dim3A_131 = vector.shape_cast %broadcast_in_dim3A_128 : vector<512x1xi32> to vector<512x1xi32>
    %broadcast_in_dim3A_132 = vector.broadcast %broadcast_in_dim3A_131 : vector<512x1xi32> to vector<512x64xi32>
    %select_n3A_133 = arith.select %ge3A_21, %broadcast_in_dim3A_130, %broadcast_in_dim3A_132 : vector<512x64xi1>, vector<512x64xi32>
    %eq3A_134 = arith.cmpi eq, %and3A_19, %select_n3A_133 : vector<512x64xi32>
    %convert_element_type3A_135 = arith.extui %eq3A_134 : vector<512x64xi1> to vector<512x64xi32>
    %convert_element_type3A_136 = arith.sitofp %convert_element_type3A_135 : vector<512x64xi32> to vector<512x64xf32>
    %convert_element_type3A_137 = arith.truncf %convert_element_type3A_136 : vector<512x64xf32> to vector<512x64xbf16>
    %dot_general3A_138 = arith.constant dense<0.000000e+00> : vector<512x768xf32>
    %dot_general3A_139 = tpu.matmul %convert_element_type3A_137, %concatenate3A, %dot_general3A_138 {dimension_numbers = #tpu.dot_dimension_numbers<[1], [0], [0], [1], [0, 0, 1, 1], [], []>, transpose_lhs_hint = false} : vector<512x64xbf16>, vector<64x768xbf16>, vector<512x768xf32> -> vector<512x768xf32>
    %max3A_140 = arith.maximumf %max3A_122, %dot_general3A_139 : vector<512x768xf32>
    %get3A_141 = arith.constant 0 : index
    %get3A_142 = arith.constant 0 : index
    %get3A_143 = vector.load %arg5[%get3A_141, %get3A_142] : memref<1x768xf32, #tpu.memory_space<vmem>>, vector<1x768xf32>
    %add3A = vector.broadcast %get3A_143 : vector<1x768xf32> to vector<512x768xf32>
    %add3A_144 = arith.addf %max3A_140, %add3A : vector<512x768xf32>
    %swap3A = arith.constant 0 : index
    %swap3A_145 = arith.constant 0 : index
    %swap3A_146 = vector.load %arg7[%swap3A, %swap3A_145] : memref<512x768xf32, #tpu.memory_space<vmem>>, vector<512x768xf32>
    tpu.vector_store %arg7[%swap3A, %swap3A_145], %add3A_144 {strides = array<i32>} : memref<512x768xf32, #tpu.memory_space<vmem>>, vector<512x768xf32>,
    %get3A_147 = arith.constant 0 : index
    %get3A_148 = arith.constant 0 : index
    %get3A_149 = vector.load %arg6[%get3A_147, %get3A_148] : memref<2x768xf32, #tpu.memory_space<vmem>>, vector<1x768xf32>
    %broadcast_in_dim3A_150 = vector.shape_cast %get3A_149 : vector<1x768xf32> to vector<1x768xf32>
    %broadcast_in_dim3A_151 = vector.broadcast %broadcast_in_dim3A_150 : vector<1x768xf32> to vector<512x768xf32>
    %swap3A_152 = arith.constant 0 : index
    %swap3A_153 = arith.constant 0 : index
    %swap3A_154 = vector.load %arg8[%swap3A_152, %swap3A_153] : memref<512x768xf32, #tpu.memory_space<vmem>>, vector<512x768xf32>
    tpu.vector_store %arg8[%swap3A_152, %swap3A_153], %broadcast_in_dim3A_151 {strides = array<i32>} : memref<512x768xf32, #tpu.memory_space<vmem>>, vector<512x768xf32>,
    return
  }
  func.func @transform_0(%arg0: i32) -> (i32, i32) {
    %c0_i32 = arith.constant 0 : i32
    %c0_i32_0 = arith.constant 0 : i32
    return %arg0, %c0_i32 : i32, i32
  }
  func.func @transform_1(%arg0: i32) -> (i32, i32) {
    %c0_i32 = arith.constant 0 : i32
    %c0_i32_0 = arith.constant 0 : i32
    %c0_i32_1 = arith.constant 0 : i32
    return %c0_i32, %c0_i32_0 : i32, i32
  }
  func.func @transform_2(%arg0: i32) -> (i32, i32) {
    %c0_i32 = arith.constant 0 : i32
    %c0_i32_0 = arith.constant 0 : i32
    %c0_i32_1 = arith.constant 0 : i32
    return %c0_i32, %c0_i32_0 : i32, i32
  }
  func.func @transform_3(%arg0: i32) -> (i32, i32) {
    %c0_i32 = arith.constant 0 : i32
    %c0_i32_0 = arith.constant 0 : i32
    %c0_i32_1 = arith.constant 0 : i32
    return %c0_i32, %c0_i32_0 : i32, i32
  }
  func.func @transform_4(%arg0: i32) -> (i32, i32) {
    %c0_i32 = arith.constant 0 : i32
    %c0_i32_0 = arith.constant 0 : i32
    %c0_i32_1 = arith.constant 0 : i32
    return %c0_i32, %c0_i32_0 : i32, i32
  }
  func.func @transform_5(%arg0: i32) -> (i32, i32) {
    %c0_i32 = arith.constant 0 : i32
    %c0_i32_0 = arith.constant 0 : i32
    %c0_i32_1 = arith.constant 0 : i32
    return %c0_i32, %c0_i32_0 : i32, i32
  }
  func.func @transform_6(%arg0: i32) -> (i32, i32) {
    %c0_i32 = arith.constant 0 : i32
    %c0_i32_0 = arith.constant 0 : i32
    return %arg0, %c0_i32 : i32, i32
  }
  func.func @transform_7(%arg0: i32) -> (i32, i32) {
    %c0_i32 = arith.constant 0 : i32
    %c0_i32_0 = arith.constant 0 : i32
    return %arg0, %c0_i32 : i32, i32
  }
}

</mosaic_0001>

<sc_bundles>
// kernel: kernel.6.cloned.1.call-start
scs
__scs_entry_jumppad:
0x0: {  	(pc) =	sbr.rel $0x88, $3  }
0x1: {  	(tag) =	ssettag $0x0;
	lr =	simm.s32 $0x1  }
0x2: {  	[smem:$0x3F96] =	sst lr;
	_ =	strace $0xD0000000  }
0x3: {  	_ = 	snop  }
0x4: {  	_ = 	snop  }
0x5: {  	_ = 	snop  }
0x6: {  	_ = 	snop  }
0x7: {  	_ = 	snop  }
__scs_overlays_trampoline_lowered:
0x8: {  	[smem:$0x3FA5] =	sst s0  }
0x9: {  	[smem:$0x3FA6] =	sst s1  }
0xa: {  	[smem:$0x3FA7] =	sst s2  }
0xb: {  	[smem:$0x3FA8] =	sst s3  }
0xc: {  	[smem:$0x3FA9] =	sst s4  }
0xd: {  	[smem:$0x3FAA] =	sst s5  }
0xe: {  	[smem:$0x3FAB] =	sst s6  }
0xf: {  	[smem:$0x3FAC] =	sst s7  }
0x10: {  	[smem:$0x3FAD] =	sst s8  }
0x11: {  	[smem:$0x3FAE] =	sst s9;
	s0 =	simm.s32 @!p0 $0x0  }
0x12: {  	s1 =	sld [smem:$0x3F94];
	s0 =	simm.s32 @p0 $0x1  }
0x13: {  	[smem:$0x3FAF] =	sst s0;
	s0 =	simm.s32 @!p1 $0x0  }
0x14: {  	s2 =	sld [smem:$0x3F93];
	s0 =	simm.s32 @p1 $0x1  }
0x15: {  	[smem:$0x3FB0] =	sst s0;
	s0 =	simm.s32 @!p2 $0x0  }
0x16: {  	s3 =	sld [smem:$0x3FDB];
	s0 =	simm.s32 @p2 $0x1  }
0x17: {  	s4 =	simm.s32 $0x1BF5;
	[smem:$0x3FB2] =	sst s0  }
0x18: {  	s0 =	sld [smem:$0x3F95];
	_ =	swait.ge [sflag:s4], $0x0  }
0x19: {  	s7 =	sld [smem:$0x3F96]  }
0x1a: {  	s8 =	sadd.s32 $0xFFFFE003, lr  }
0x1b: {  	s9 =	sadd.s32 $0xFFFFFEF7, lr;
	s5 =	simm.s32 $0xFFFFFFFF;
	p2 =	slt.u32 s8, $0xFFFFF086  }
0x1c: {  	p1 =	slt.u32 s9, $0xF7A;
	s5 =	simm.s32 @!p2 $0x0  }
0x1d: {  	s5 =	simm.s32 @p1 $0x1;
	p0 =	seq.s32 s7, s2  }
0x1e: {  	s7 =	smul.u32 @!p0 $0xF7A, s2;
	p2 =	seq.s32 @!p0 s5, $0x0  }
0x1f: {  	s9 =	smul.u32 $0xF7A, s1;
	s8 =	simm.s32 @!p0 $0x1BF5;
	p2 =	por !p2, p0  }
0x20: {  	[sflag:s8] =	ssyncset.s32 @!p0 $0xFFFFF086;
	s6 =	sadd.s32 @!p0 s3, s7;
	s7 =	simm.s32 @!p0 $0x108  }
0x21: {  	s3 =	sadd.s32 s3, s9;
	s6 =	sadd.s32 @!p0 $0x88, s6;
	s7 =	simm.s32 @p2 $0x1082  }
0x22: {  	[simem:s7], [sflag:s8] =	dma.local @!p0 [hbm:s6], $0xF7A  }
0x23: {  	s9 =	sor.u32 $0xD0000000, s2;
	s6 =	simm.s32 $0x108;
	_ =	swait.ge @!p0 [sflag:s8], $0x0  }
0x24: {  	s3 =	sadd.s32 $0x88, s3;
	s6 =	simm.s32 @!p1 $0x1082;
	[sflag:s4] =	ssyncset.s32 $0xFFFFF086  }
0x25: {  	[simem:s6], [sflag:s4] =	dma.local [hbm:s3], $0xF7A  }
0x26: {  	[smem:$0x3F96] =	sst s1;
	(tag) =	ssettag s2;
	_ =	strace s9  }
0x27: {  	s1 =	sld [smem:$0x3FA6]  }
0x28: {  	s2 =	sld [smem:$0x3FA7]  }
0x29: {  	s4 =	sld [smem:$0x3FA9]  }
0x2a: {  	p0 =	seq.s32 s5, $0x0;
	s5 =	sld [smem:$0x3FAA]  }
0x2b: {  	s6 =	sld [smem:$0x3FAB]  }
0x2c: {  	s7 =	sld [smem:$0x3FAC]  }
0x2d: {  	s3 =	simm.s32 $0x108;
	s8 =	sld [smem:$0x3FAD]  }
0x2e: {  	s3 =	simm.s32 @!p0 $0x1082;
	s9 =	sld [smem:$0x3FAE]  }
0x2f: {  	lr =	sadd.s32 s0, s3;
	s0 =	sld [smem:$0x3FA5]  }
0x30: {  	s3 =	sld [smem:$0x3FA8]  }
0x31: {  	[smem:$0x3FB1] =	sst s10  }
0x32: {  	s10 =	sld [smem:$0x3FAF];
	_ =	sdelay $0x3  }
0x33: {  	p0 =	seq.s32 s10, $0x1;
	s10 =	sld [smem:$0x3FB1];
	_ =	sdelay $0x3  }
0x34: {  	[smem:$0x3FB1] =	sst s10  }
0x35: {  	s10 =	sld [smem:$0x3FB0];
	_ =	sdelay $0x3  }
0x36: {  	p1 =	seq.s32 s10, $0x1;
	s10 =	sld [smem:$0x3FB1];
	_ =	sdelay $0x3  }
0x37: {  	[smem:$0x3FB1] =	sst s10  }
0x38: {  	s10 =	sld [smem:$0x3FB2]  }
0x39: {  	_ = 	snop;
	(pc) =	sbr.ind lr, $3  }
0x3a: {  	_ = 	snop  }
0x3b: {  	_ = 	snop  }
0x3c: {  	p2 =	seq.s32 s10, $0x1;
	s10 =	sld [smem:$0x3FB1]  }
0x3d: {  	_ =	shalt  }
0x3e: {  	_ =	shalt  }
0x3f: {  	_ =	shalt  }
0x40: {  	_ =	shalt  }
0x41: {  	_ =	shalt  }
0x42: {  	_ =	shalt  }
0x43: {  	_ =	shalt  }
0x44: {  	_ =	shalt  }
0x45: {  	_ =	shalt  }
0x46: {  	_ =	shalt  }
0x47: {  	_ =	shalt  }
0x48: {  	_ =	shalt  }
0x49: {  	_ =	shalt  }
0x4a: {  	_ =	shalt  }
0x4b: {  	_ =	shalt  }
0x4c: {  	_ =	shalt  }
0x4d: {  	_ =	shalt  }
0x4e: {  	_ =	shalt  }
0x4f: {  	_ =	shalt  }
0x50: {  	_ =	shalt  }
0x51: {  	_ =	shalt  }
0x52: {  	_ =	shalt  }
0x53: {  	_ =	shalt  }
0x54: {  	_ =	shalt  }
0x55: {  	_ =	shalt  }
0x56: {  	_ =	shalt  }
0x57: {  	_ =	shalt  }
0x58: {  	_ =	shalt  }
0x59: {  	_ =	shalt  }
0x5a: {  	_ =	shalt  }
0x5b: {  	_ =	shalt  }
0x5c: {  	_ =	shalt  }
0x5d: {  	_ =	shalt  }
0x5e: {  	_ =	shalt  }
0x5f: {  	_ =	shalt  }
0x60: {  	_ =	shalt  }
0x61: {  	_ =	shalt  }
0x62: {  	_ =	shalt  }
0x63: {  	_ =	shalt  }
0x64: {  	_ =	shalt  }
0x65: {  	_ =	shalt  }
0x66: {  	_ =	shalt  }
0x67: {  	_ =	shalt  }
0x68: {  	_ =	shalt  }
0x69: {  	_ =	shalt  }
0x6a: {  	_ =	shalt  }
0x6b: {  	_ =	shalt  }
0x6c: {  	_ =	shalt  }
0x6d: {  	_ =	shalt  }
0x6e: {  	_ =	shalt  }
0x6f: {  	_ =	shalt  }
0x70: {  	_ =	shalt  }
0x71: {  	_ =	shalt  }
0x72: {  	_ =	shalt  }
0x73: {  	_ =	shalt  }
0x74: {  	_ =	shalt  }
0x75: {  	_ =	shalt  }
0x76: {  	_ =	shalt  }
0x77: {  	_ =	shalt  }
0x78: {  	_ =	shalt  }
0x79: {  	_ =	shalt  }
0x7a: {  	_ =	shalt  }
0x7b: {  	_ =	shalt  }
0x7c: {  	_ =	shalt  }
0x7d: {  	_ =	shalt  }
0x7e: {  	_ =	shalt  }
0x7f: {  	_ =	shalt  }
0x80: {  	_ =	shalt  }
0x81: {  	_ =	shalt  }
0x82: {  	_ =	shalt  }
0x83: {  	_ =	shalt  }
0x84: {  	_ =	shalt  }
0x85: {  	_ =	shalt  }
0x86: {  	_ =	shalt  }
0x87: {  	_ =	shalt  }
.Lfunc_end0:
.L_simem_size_0:
called_computation_lowered:
.L_overlay_start_0:
0x88: {  	s2 =	sld [smem:$0x3FD9]  }
0x89: {  	s3 =	sld [smem:$0x3FFE];
	_ =	sdelay $0x1  }
0x8a: {  	s1 =	srdreg.scid  }
0x8b: {  	s0 =	sand.u32 $0x1, s1  }
0x8c: {  	s16 =	sshll.u32 s0, $0xA;
	s2 =	sadd.s32 s3, s2  }
0x8d: {  	s2 =	sadd.s32 s2, s16  }
0x8e: {  	[smem:$0x3FBD] =	sst s2  }
0x8f: {  	_ = 	snop  }
0x90: {  	s17 =	sld [smem:$0x3FD0];
	_ =	sdelay $0x2  }
0x91: {  	s5 =	simm.s32 $0xB;
	s4 =	simm.s32 $0x10;
	s2 =	sld [smem:$0x3FC7]  }
0x92: {  	[smem:s4], [sflag:s5] =	dma.local [hbm:s17], $0x1  }
0x93: {  	_ =	swait.eq [sflag:s5], $0x1  }
0x94: {  	[sflag:s5] =	ssyncset.done $0x0  }
0x95: {  	s18 =	sld [smem:$0x10];
	[sflag:s5] =	ssyncadd.s32 $0xFFFFFFFF  }
0x96: {  	s19 =	sld [smem:$0x13];
	(tm) =	ssettm $0x1  }
0x97: {  	s20 =	sld [smem:$0x3FFB];
	_ =	sdelay $0x3  }
0x98: {  	_ =	strace s20  }
0x99: {  	s3 =	sld [smem:$0x3FFC];
	_ =	sdelay $0x3  }
0x9a: {  	_ =	strace s3  }
0x9b: {  	s3 =	sld [smem:$0x3FFD];
	_ =	sdelay $0x3  }
0x9c: {  	_ =	strace s3  }
0x9d: {  	_ =	strace $0x8FFFFFFF  }
0x9e: {  	s21 =	sld [smem:$0x3FDB];
	_ =	sdelay $0x1  }
0x9f: {  	s6 =	simm.s32 $_scs_section_size  }
0xa0: {  	s7 =	simm.s32 $_size__tile_overlayer_lowered;
	s8 =	simm.s32 $_tile_overlayer_lowered  }
0xa1: {  	s9 =	simm.s32 $0x1BFF;
	s22 =	sshll.u32 s8, $0x1;
	s6 =	sadd.s32 s6, s21  }
0xa2: {  	s23 =	simm.s32 $0x0;
	s7 =	sshll.u32 s7, $0x1;
	s8 =	sadd.s32 s22, s6  }
0xa3: {  	[timem:s23], [sflag:s9] =	dma.local [hbm:s8], s7  }
0xa4: {  	_ =	swait.ge [sflag:s9], s7  }
0xa5: {  	s7 =	ssub.s32 $0x0, s7;
	[sflag:s9] =	ssyncset.done $0x0  }
0xa6: {  	[sflag:s9] =	ssyncadd.s32 s7;
	_ =	sdelay $0x1  }
0xa7: {  	s24 =	simm.s32 $0x1B8B  }
0xa8: {  	_ =	swait.ge [sflag:s24], $0x1  }
0xa9: {  	[sflag:s24] =	ssyncset.done $0x0  }
0xaa: {  	[sflag:s24] =	ssyncadd.s32 $0xFFFFFFFF  }
0xab: {  	s7 =	sld [smem:$0x0]  }
0xac: {  	s8 =	sand.u32 $0xFFFFFFFE, s1  }
0xad: {  	p0 =	sne.s32 s1, s8  }
0xae: {  	s8 =	sshll.u32 @p0 s8, $0xE  }
0xaf: {  	s8 =	sadd.s32 @p0 $0x11B8D, s8;
	s9 =	sshll.u32 @p0 s7, $0x11  }
0xb0: {  	s8 =	sor.u32 @p0 s9, s8  }
0xb1: {  	[sflag:s8] =	ssyncadd.remote.s32 @p0 $0x1;
	_ =	sdelay $0x1  }
0xb2: {  	s8 =	simm.s32 @p0 $0x1B8D  }
0xb3: {  	_ =	swait.eq @p0 [sflag:s8], $0x1  }
0xb4: {  	[sflag:s8] =	ssyncadd.s32 @p0 $0xFFFFFFFF  }
0xb5: {  	s9 =	sshll.u32 @!p0 s1, $0xE  }
0xb6: {  	s9 =	sor.u32 @!p0 $0x4000, s9;
	s8 =	simm.s32 @!p0 $0x1B8D  }
0xb7: {  	s7 =	sshll.u32 @!p0 s7, $0x11;
	s9 =	sadd.s32 @!p0 $0x11B8D, s9;
	_ =	swait.eq @!p0 [sflag:s8], $0x1  }
0xb8: {  	s7 =	sor.u32 @!p0 s7, s9;
	[sflag:s8] =	ssyncadd.s32 @!p0 $0xFFFFFFFF  }
0xb9: {  	s25 =	simm.s32 $0x1B8E;
	[sflag:s7] =	ssyncadd.remote.s32 @!p0 $0x1  }
0xba: {  	s26 =	simm.s32 $execute0_lowered;
	[smem:$0x3FD2] =	sst s25  }
0xbb: {  	s7 =	sshll.u32 s26, $0x1;
	_ =	strace $0x80000049;
	[dreg:$0x1] =	wrdreg $0xFFFFFFFF  }
0xbc: {  	s28 =	simm.s32 $_size_execute0_lowered;
	s6 =	sadd.s32 s6, s7;
	[dreg:$0x0] =	wrdreg $0x0  }
0xbd: {  	s7 =	sshll.u32 s28, $0x1;
	[dreg:$0x2] =	wrdreg s6  }
0xbe: {  	[dreg:$0x3] =	wrdreg s7  }
0xbf: {  	[dreg:$0x4] =	wrdreg $0xC0  }
0xc0: {  	_ =	task [dreg:s23], $0x5FFFF  }
0xc1: {  	[dreg:$0x1] =	wrdreg $0xFFFFFFFF  }
0xc2: {  	[dreg:$0x0] =	wrdreg $0x60  }
0xc3: {  	[dreg:$0x2] =	wrdreg s19  }
0xc4: {  	[dreg:$0x3] =	wrdreg s2  }
0xc5: {  	[dreg:$0x4] =	wrdreg s18  }
0xc6: {  	[dreg:$0x5] =	wrdreg $0x9  }
0xc7: {  	_ =	task.clear_ibuf [dreg:s23], $0x6FFFF;
	_ =	strace $0x90000049  }
0xc8: {  	s29 =	simm.s32 $0x9;
	_ =	strace $0x8000004B  }
0xc9: {  	_ =	swait.ge [sflag:s29], $0x1  }
0xca: {  	[sflag:s29] =	ssyncadd.s32 $0xFFFFFFFF  }
0xcb: {  	_ =	strace $0x9000004B  }
0xcc: {  	_ =	sfence  }
0xcd: {  	s30 =	sld [smem:$0x0];
	_ =	sdelay $0x2  }
0xce: {  	s31 =	sshll.u32 s1, $0xD;
	s1 =	sshrl.u32 s1, $0x2  }
0xcf: {  	s4 =	sand.u32 $0x4000, s31;
	s1 =	sadd.s32 s1, s30  }
0xd0: {  	s0 =	sor.u32 s4, s0;
	s1 =	sshll.u32 s1, $0x11  }
0xd1: {  	s0 =	sor.u32 s1, s0  }
0xd2: {  	s0 =	sadd.s32 $0x8F2B, s0  }
0xd3: {  	[sflag:s0] =	ssyncadd.remote.s32 $0x1  }
0xd4: {  	_ =	sfence.sel $0xFFFF  }
0xd5: {  	[dreg:$0x0] =	wrdreg $0xFFFFFFFF;
	(pc) =	sbr.abs _section_cstart, $3  }
0xd6: {  	[dreg:$0x1] =	wrdreg $0xFFFFFFFF  }
0xd7: {  	_ =	task.clear_ibuf [dreg:s23], $0x2FFFF;
	_ =	strace $0x9FFFFFFF  }
0xd8: {  	(tm) =	ssettm $0x7FFFFFFF  }
0xd9: {  	_ =	shalt  }
tec
execute0_lowered:
.L_overlay_start_1:
0x0: {  	(tag) =	ssettag $0x1  }
0x1: {  	s0 =	rddreg [dreg:$0x0]  }
0x2: {  	s1 =	rddreg [dreg:$0x1]  }
0x3: {  	s2 =	rddreg [dreg:$0x2]  }
0x4: {  	s4 =	srdreg.scid;
	s3 =	simm.s32 $0x0;
	s5 =	stileid.u32  }
0x5: {  	s11 =	simm.s32 $0x2;
	s13 =	simm.s32 $0x900;
	s14 =	simm.s32 $0x1100  }
0x6: {  	s15 =	simm.s32 $0x1900;
	s16 =	simm.s32 $0x2100;
	s17 =	simm.s32 $0x2900  }
0x7: {  	s28 =	simm.s32 $0x7900;
	s29 =	simm.s32 $0x8100;
	s30 =	simm.s32 $0x8900  }
0x8: {  	s31 =	simm.s32 $0x9100;
	s4 =	sand.u32 $0x1, s4;
	[smem:$0x7FF] =	sst s3  }
0x9: {  	s5 =	sshll.u32 s5, $0x6;
	s6 =	sshll.u32 s4, $0x5;
	s4 =	ssub.s32 $0x2, s4  }
0xa: {  	_ =	strace $0x8000004A;
	s5 =	sor.u32 s6, s5;
	s9 =	sshrl.u32 s4, $0x1  }
0xb: {  	s6 =	sadd.s32 s0, s5;
	s7 =	sor.u32 $0x8, s5;
	s8 =	smul.u32 $0x300, s5  }
0xc: {  	s20 =	sor.u32 $0x10, s5;
	s9 =	ssub.s32 s4, s9;
	s5 =	sor.u32 $0x18, s5  }
0xd: {  	s4 =	sadd.s32 $0x100, s1;
	s18 =	sadd.s32 s0, s7;
	s7 =	smul.u32 $0x300, s7  }
0xe: {  	[dreg:$0x4] =	wrdreg s6;
	s21 =	sadd.s32 s0, s20;
	s23 =	smul.u32 $0x300, s20  }
0xf: {  	s0 =	sadd.s32 s0, s5;
	s24 =	smul.u32 $0x300, s5;
	s5 =	sadd.s32 $0x200, s1  }
0x10: {  	s6 =	smax.u32 s9, $0x1;
	s20 =	simm.s32 $0x4100;
	[dreg:$0x5] =	wrdreg s18  }
0x11: {  	s9 =	simm.s32 $0xB100;
	s19 =	sadd.s32 s2, s8;
	[dreg:$0x7] =	wrdreg s21  }
0x12: {  	[dreg:$0x9] =	wrdreg s0;
	s8 =	simm.s32 $0x1;
	s18 =	simm.s32 $0x3100  }
0x13: {  	s21 =	simm.s32 $0x4900;
	[dreg:$0x6] =	wrdreg s19;
	s22 =	sadd.s32 s2, s7  }
0x14: {  	s25 =	sadd.s32 s2, s23;
	s26 =	sadd.s32 s2, s24;
	[dreg:$0x8] =	wrdreg s22  }
0x15: {  	v2 =	vlaneseq.u32;
	s7 =	simm.s32 $0x3;
	s19 =	simm.s32 $0x3900;
	[dreg:$0xa] =	wrdreg s25  }
0x16: {  	vm0 =	vmmov $0xffff;
	v1 =	vshrl.u32 v2, $0x3;
	s23 =	simm.s32 $0x5900;
	s24 =	simm.s32 $0x6100;
	[dreg:$0xb] =	wrdreg s26  }
0x17: {  	v0 =	vand.u32 $0x7, v2;
	v2 =	vor.u32 $0x8, v2;
	v1 =	vmul.u32 $0x8, v1;
	s22 =	simm.s32 $0x5100;
	s25 =	simm.s32 $0x6900;
	s26 =	simm.s32 $0x7100  }
.LBB2_1:
0x18: {  	s12 =	rddreg [dreg:$0x4]  }
0x19: {  	[tilespmem:s3], [sflag:$0x3] =	stream.linear.gather [hbm4b:s12+s3], $0x40, $0x38;
	[tilespmem:$0x18100] =	vst v63  }
0x1a: {  	_ =	swait.ge [sflag:s7], $0x40  }
0x1b: {  	[sflag:s7] =	ssyncset.done $0x0  }
0x1c: {  	[sflag:s7] =	ssyncadd.s32 $0xFFFFFFC0  }
0x1d: {  	v3 =	vld [tilespmem:$0x0];
	_ =	sdelay $0x4  }
0x1e: {  	v4 =	vshrl.u32 v3, $0x3  }
0x1f: {  	v4 =	vmul.u32 $0x30, v4  }
0x20: {  	v3 =	vand.u32 $0x7, v3  }
0x21: {  	v3 =	vor.u32 v3, v4  }
0x22: {  	v4 =	vperm.xlane v3, v0;
	_ =	sdelay $0x1  }
0x23: {  	v4 =	vadd.s32 v1, v4;
	_ =	sdelay $0x3  }
0x24: {  	s0 =	simm.s32 $0x100;
	v3 =	vperm.xlane v3, v2  }
0x25: {  	[tilespmem:s0], [sflag:$0x1] =	stream.indirect_vreg.gather [hbm4b:s1+s3], $0x80, v4, vm0, $0xb8;
	[tilespmem:$0x18100] =	vst v63  }
0x26: {  	v3 =	vadd.s32 v1, v3  }
0x27: {  	[tilespmem:s13], [sflag:$0x1] =	stream.indirect_vreg.gather [hbm4b:s4+s3], $0x80, v4, vm0, $0xb8;
	[tilespmem:$0x18100] =	vst v63  }
0x28: {  	_ = 	snop  }
0x29: {  	[tilespmem:s14], [sflag:$0x1] =	stream.indirect_vreg.gather [hbm4b:s5+s3], $0x80, v4, vm0, $0xb8;
	[tilespmem:$0x18100] =	vst v63  }
0x2a: {  	_ = 	snop  }
0x2b: {  	[tilespmem:s15], [sflag:$0x1] =	stream.indirect_vreg.gather [hbm4b:s1+s3], $0x80, v3, vm0, $0xb8;
	[tilespmem:$0x18100] =	vst v63  }
0x2c: {  	_ = 	snop  }
0x2d: {  	[tilespmem:s16], [sflag:$0x1] =	stream.indirect_vreg.gather [hbm4b:s4+s3], $0x80, v3, vm0, $0xb8;
	[tilespmem:$0x18100] =	vst v63  }
0x2e: {  	_ = 	snop  }
0x2f: {  	[tilespmem:s17], [sflag:$0x1] =	stream.indirect_vreg.gather [hbm4b:s5+s3], $0x80, v3, vm0, $0xb8;
	[tilespmem:$0x18100] =	vst v63  }
0x30: {  	v3 =	vld [tilespmem:$0x10];
	_ =	sdelay $0x4  }
0x31: {  	v49 =	vshrl.u32 v3, $0x3  }
0x32: {  	v4 =	vmul.u32 $0x30, v49  }
0x33: {  	v3 =	vand.u32 $0x7, v3  }
0x34: {  	v3 =	vor.u32 v3, v4  }
0x35: {  	v4 =	vperm.xlane v3, v0;
	_ =	sdelay $0x1  }
0x36: {  	v4 =	vadd.s32 v1, v4;
	_ =	sdelay $0x3  }
0x37: {  	v3 =	vperm.xlane v3, v2  }
0x38: {  	[tilespmem:s18], [sflag:$0x1] =	stream.indirect_vreg.gather [hbm4b:s1+s3], $0x80, v4, vm0, $0xb8;
	[tilespmem:$0x18100] =	vst v63  }
0x39: {  	v3 =	vadd.s32 v1, v3  }
0x3a: {  	[tilespmem:s19], [sflag:$0x1] =	stream.indirect_vreg.gather [hbm4b:s4+s3], $0x80, v4, vm0, $0xb8;
	[tilespmem:$0x18100] =	vst v63  }
0x3b: {  	_ = 	snop  }
0x3c: {  	[tilespmem:s20], [sflag:$0x1] =	stream.indirect_vreg.gather [hbm4b:s5+s3], $0x80, v4, vm0, $0xb8;
	[tilespmem:$0x18100] =	vst v63  }
0x3d: {  	_ = 	snop  }
0x3e: {  	[tilespmem:s21], [sflag:$0x1] =	stream.indirect_vreg.gather [hbm4b:s1+s3], $0x80, v3, vm0, $0xb8;
	[tilespmem:$0x18100] =	vst v63  }
0x3f: {  	_ = 	snop  }
0x40: {  	[tilespmem:s22], [sflag:$0x1] =	stream.indirect_vreg.gather [hbm4b:s4+s3], $0x80, v3, vm0, $0xb8;
	[tilespmem:$0x18100] =	vst v63  }
0x41: {  	_ = 	snop  }
0x42: {  	[tilespmem:s23], [sflag:$0x1] =	stream.indirect_vreg.gather [hbm4b:s5+s3], $0x80, v3, vm0, $0xb8;
	[tilespmem:$0x18100] =	vst v63  }
0x43: {  	v3 =	vld [tilespmem:$0x20];
	_ =	sdelay $0x4  }
0x44: {  	v50 =	vshrl.u32 v3, $0x3  }
0x45: {  	v4 =	vmul.u32 $0x30, v50  }
0x46: {  	v3 =	vand.u32 $0x7, v3  }
0x47: {  	v3 =	vor.u32 v3, v4  }
0x48: {  	v4 =	vperm.xlane v3, v0;
	_ =	sdelay $0x1  }
0x49: {  	v4 =	vadd.s32 v1, v4;
	_ =	sdelay $0x3  }
0x4a: {  	v3 =	vperm.xlane v3, v2  }
0x4b: {  	[tilespmem:s24], [sflag:$0x1] =	stream.indirect_vreg.gather [hbm4b:s1+s3], $0x80, v4, vm0, $0xb8;
	[tilespmem:$0x18100] =	vst v63  }
0x4c: {  	v3 =	vadd.s32 v1, v3  }
0x4d: {  	[tilespmem:s25], [sflag:$0x1] =	stream.indirect_vreg.gather [hbm4b:s4+s3], $0x80, v4, vm0, $0xb8;
	[tilespmem:$0x18100] =	vst v63  }
0x4e: {  	_ = 	snop  }
0x4f: {  	[tilespmem:s26], [sflag:$0x1] =	stream.indirect_vreg.gather [hbm4b:s5+s3], $0x80, v4, vm0, $0xb8;
	[tilespmem:$0x18100] =	vst v63  }
0x50: {  	_ = 	snop  }
0x51: {  	[tilespmem:s28], [sflag:$0x1] =	stream.indirect_vreg.gather [hbm4b:s1+s3], $0x80, v3, vm0, $0xb8;
	[tilespmem:$0x18100] =	vst v63  }
0x52: {  	_ = 	snop  }
0x53: {  	[tilespmem:s29], [sflag:$0x1] =	stream.indirect_vreg.gather [hbm4b:s4+s3], $0x80, v3, vm0, $0xb8;
	[tilespmem:$0x18100] =	vst v63  }
0x54: {  	_ = 	snop  }
0x55: {  	[tilespmem:s30], [sflag:$0x1] =	stream.indirect_vreg.gather [hbm4b:s5+s3], $0x80, v3, vm0, $0xb8;
	[tilespmem:$0x18100] =	vst v63  }
0x56: {  	v3 =	vld [tilespmem:$0x30];
	_ =	sdelay $0x4  }
0x57: {  	v51 =	vshrl.u32 v3, $0x3  }
0x58: {  	v4 =	vmul.u32 $0x30, v51  }
0x59: {  	v3 =	vand.u32 $0x7, v3  }
0x5a: {  	v3 =	vor.u32 v3, v4  }
0x5b: {  	v4 =	vperm.xlane v3, v0;
	_ =	sdelay $0x1  }
0x5c: {  	v4 =	vadd.s32 v1, v4;
	_ =	sdelay $0x3  }
0x5d: {  	v3 =	vperm.xlane v3, v2  }
0x5e: {  	[tilespmem:s31], [sflag:$0x1] =	stream.indirect_vreg.gather [hbm4b:s1+s3], $0x80, v4, vm0, $0xb8;
	[tilespmem:$0x18100] =	vst v63  }
0x5f: {  	s2 =	simm.s32 $0x9900;
	v3 =	vadd.s32 v1, v3  }
0x60: {  	[tilespmem:s2], [sflag:$0x1] =	stream.indirect_vreg.gather [hbm4b:s4+s3], $0x80, v4, vm0, $0xb8;
	[tilespmem:$0x18100] =	vst v63  }
0x61: {  	s10 =	simm.s32 $0xA100  }
0x62: {  	[tilespmem:s10], [sflag:$0x1] =	stream.indirect_vreg.gather [hbm4b:s5+s3], $0x80, v4, vm0, $0xb8;
	[tilespmem:$0x18100] =	vst v63  }
0x63: {  	s12 =	simm.s32 $0xA900  }
0x64: {  	[tilespmem:s12], [sflag:$0x1] =	stream.indirect_vreg.gather [hbm4b:s1+s3], $0x80, v3, vm0, $0xb8;
	[tilespmem:$0x18100] =	vst v63  }
0x65: {  	_ = 	snop  }
0x66: {  	[tilespmem:s9], [sflag:$0x1] =	stream.indirect_vreg.gather [hbm4b:s4+s3], $0x80, v3, vm0, $0xb8;
	[tilespmem:$0x18100] =	vst v63  }
0x67: {  	s2 =	simm.s32 $0xB900  }
0x68: {  	[tilespmem:s2], [sflag:$0x1] =	stream.indirect_vreg.gather [hbm4b:s5+s3], $0x80, v3, vm0, $0xb8;
	[tilespmem:$0x18100] =	vst v63  }
0x69: {  	s0 =	rddreg [dreg:$0x5];
	s10 =	simm.s32 $0x80  }
0x6a: {  	[tilespmem:s10], [sflag:$0x3] =	stream.linear.gather [hbm4b:s0+s3], $0x40, $0x38;
	[tilespmem:$0x18100] =	vst v63  }
0x6b: {  	_ =	swait.ge [sflag:s7], $0x40  }
0x6c: {  	[sflag:s7] =	ssyncset.done $0x0  }
0x6d: {  	[sflag:s7] =	ssyncadd.s32 $0xFFFFFFC0  }
0x6e: {  	v3 =	vld [tilespmem:$0x80];
	_ =	sdelay $0x4  }
0x6f: {  	v52 =	vshrl.u32 v3, $0x3  }
0x70: {  	v4 =	vmul.u32 $0x30, v52  }
0x71: {  	v3 =	vand.u32 $0x7, v3  }
0x72: {  	v3 =	vor.u32 v3, v4  }
0x73: {  	v4 =	vperm.xlane v3, v0;
	_ =	sdelay $0x1  }
0x74: {  	v4 =	vadd.s32 v1, v4;
	_ =	sdelay $0x3  }
0x75: {  	s0 =	simm.s32 $0xC100;
	v3 =	vperm.xlane v3, v2  }
0x76: {  	[tilespmem:s0], [sflag:$0x2] =	stream.indirect_vreg.gather [hbm4b:s1+s3], $0x80, v4, vm0, $0xb8;
	[tilespmem:$0x18100] =	vst v63  }
0x77: {  	s10 =	simm.s32 $0xC900;
	v3 =	vadd.s32 v1, v3  }
0x78: {  	[tilespmem:s10], [sflag:$0x2] =	stream.indirect_vreg.gather [hbm4b:s4+s3], $0x80, v4, vm0, $0xb8;
	[tilespmem:$0x18100] =	vst v63  }
0x79: {  	s12 =	simm.s32 $0xD100  }
0x7a: {  	[tilespmem:s12], [sflag:$0x2] =	stream.indirect_vreg.gather [hbm4b:s5+s3], $0x80, v4, vm0, $0xb8;
	[tilespmem:$0x18100] =	vst v63  }
0x7b: {  	s12 =	simm.s32 $0xD900  }
0x7c: {  	[tilespmem:s12], [sflag:$0x2] =	stream.indirect_vreg.gather [hbm4b:s1+s3], $0x80, v3, vm0, $0xb8;
	[tilespmem:$0x18100] =	vst v63  }
0x7d: {  	s12 =	simm.s32 $0xE100  }
0x7e: {  	[tilespmem:s12], [sflag:$0x2] =	stream.indirect_vreg.gather [hbm4b:s4+s3], $0x80, v3, vm0, $0xb8;
	[tilespmem:$0x18100] =	vst v63  }
0x7f: {  	s12 =	simm.s32 $0xE900  }
0x80: {  	[tilespmem:s12], [sflag:$0x2] =	stream.indirect_vreg.gather [hbm4b:s5+s3], $0x80, v3, vm0, $0xb8;
	[tilespmem:$0x18100] =	vst v63  }
0x81: {  	v3 =	vld [tilespmem:$0x90];
	_ =	sdelay $0x4  }
0x82: {  	v53 =	vshrl.u32 v3, $0x3  }
0x83: {  	v4 =	vmul.u32 $0x30, v53  }
0x84: {  	v3 =	vand.u32 $0x7, v3  }
0x85: {  	v3 =	vor.u32 v3, v4  }
0x86: {  	v4 =	vperm.xlane v3, v0;
	_ =	sdelay $0x1  }
0x87: {  	v4 =	vadd.s32 v1, v4;
	_ =	sdelay $0x3  }
0x88: {  	s12 =	simm.s32 $0xF100;
	v3 =	vperm.xlane v3, v2  }
0x89: {  	[tilespmem:s12], [sflag:$0x2] =	stream.indirect_vreg.gather [hbm4b:s1+s3], $0x80, v4, vm0, $0xb8;
	[tilespmem:$0x18100] =	vst v63  }
0x8a: {  	v3 =	vadd.s32 v1, v3;
	s12 =	simm.s32 $0xF900  }
0x8b: {  	[tilespmem:s12], [sflag:$0x2] =	stream.indirect_vreg.gather [hbm4b:s4+s3], $0x80, v4, vm0, $0xb8;
	[tilespmem:$0x18100] =	vst v63  }
0x8c: {  	s12 =	simm.s32 $0x10100  }
0x8d: {  	[tilespmem:s12], [sflag:$0x2] =	stream.indirect_vreg.gather [hbm4b:s5+s3], $0x80, v4, vm0, $0xb8;
	[tilespmem:$0x18100] =	vst v63  }
0x8e: {  	s12 =	simm.s32 $0x10900  }
0x8f: {  	[tilespmem:s12], [sflag:$0x2] =	stream.indirect_vreg.gather [hbm4b:s1+s3], $0x80, v3, vm0, $0xb8;
	[tilespmem:$0x18100] =	vst v63  }
0x90: {  	s12 =	simm.s32 $0x11100  }
0x91: {  	[tilespmem:s12], [sflag:$0x2] =	stream.indirect_vreg.gather [hbm4b:s4+s3], $0x80, v3, vm0, $0xb8;
	[tilespmem:$0x18100] =	vst v63  }
0x92: {  	s12 =	simm.s32 $0x11900  }
0x93: {  	[tilespmem:s12], [sflag:$0x2] =	stream.indirect_vreg.gather [hbm4b:s5+s3], $0x80, v3, vm0, $0xb8;
	[tilespmem:$0x18100] =	vst v63  }
0x94: {  	v3 =	vld [tilespmem:$0xA0];
	_ =	sdelay $0x4  }
0x95: {  	v54 =	vshrl.u32 v3, $0x3  }
0x96: {  	v4 =	vmul.u32 $0x30, v54  }
0x97: {  	v3 =	vand.u32 $0x7, v3  }
0x98: {  	v3 =	vor.u32 v3, v4  }
0x99: {  	v4 =	vperm.xlane v3, v0;
	_ =	sdelay $0x1  }
0x9a: {  	v4 =	vadd.s32 v1, v4;
	_ =	sdelay $0x3  }
0x9b: {  	s12 =	simm.s32 $0x12100;
	v3 =	vperm.xlane v3, v2  }
0x9c: {  	[tilespmem:s12], [sflag:$0x2] =	stream.indirect_vreg.gather [hbm4b:s1+s3], $0x80, v4, vm0, $0xb8;
	[tilespmem:$0x18100] =	vst v63  }
0x9d: {  	v3 =	vadd.s32 v1, v3;
	s12 =	simm.s32 $0x12900  }
0x9e: {  	[tilespmem:s12], [sflag:$0x2] =	stream.indirect_vreg.gather [hbm4b:s4+s3], $0x80, v4, vm0, $0xb8;
	[tilespmem:$0x18100] =	vst v63  }
0x9f: {  	s12 =	simm.s32 $0x13100  }
0xa0: {  	[tilespmem:s12], [sflag:$0x2] =	stream.indirect_vreg.gather [hbm4b:s5+s3], $0x80, v4, vm0, $0xb8;
	[tilespmem:$0x18100] =	vst v63  }
0xa1: {  	s12 =	simm.s32 $0x13900  }
0xa2: {  	[tilespmem:s12], [sflag:$0x2] =	stream.indirect_vreg.gather [hbm4b:s1+s3], $0x80, v3, vm0, $0xb8;
	[tilespmem:$0x18100] =	vst v63  }
0xa3: {  	s12 =	simm.s32 $0x14100  }
0xa4: {  	[tilespmem:s12], [sflag:$0x2] =	stream.indirect_vreg.gather [hbm4b:s4+s3], $0x80, v3, vm0, $0xb8;
	[tilespmem:$0x18100] =	vst v63  }
0xa5: {  	s12 =	simm.s32 $0x14900  }
0xa6: {  	[tilespmem:s12], [sflag:$0x2] =	stream.indirect_vreg.gather [hbm4b:s5+s3], $0x80, v3, vm0, $0xb8;
	[tilespmem:$0x18100] =	vst v63  }
0xa7: {  	v3 =	vld [tilespmem:$0xB0];
	_ =	sdelay $0x4  }
0xa8: {  	v55 =	vshrl.u32 v3, $0x3  }
0xa9: {  	v4 =	vmul.u32 $0x30, v55  }
0xaa: {  	v3 =	vand.u32 $0x7, v3  }
0xab: {  	v3 =	vor.u32 v3, v4  }
0xac: {  	v4 =	vperm.xlane v3, v0;
	_ =	sdelay $0x1  }
0xad: {  	v4 =	vadd.s32 v1, v4;
	_ =	sdelay $0x3  }
0xae: {  	s12 =	simm.s32 $0x15100;
	v3 =	vperm.xlane v3, v2  }
0xaf: {  	[tilespmem:s12], [sflag:$0x2] =	stream.indirect_vreg.gather [hbm4b:s1+s3], $0x80, v4, vm0, $0xb8;
	[tilespmem:$0x18100] =	vst v63  }
0xb0: {  	v3 =	vadd.s32 v1, v3;
	s12 =	simm.s32 $0x15900  }
0xb1: {  	[tilespmem:s12], [sflag:$0x2] =	stream.indirect_vreg.gather [hbm4b:s4+s3], $0x80, v4, vm0, $0xb8;
	[tilespmem:$0x18100] =	vst v63  }
0xb2: {  	s12 =	simm.s32 $0x16100  }
0xb3: {  	[tilespmem:s12], [sflag:$0x2] =	stream.indirect_vreg.gather [hbm4b:s5+s3], $0x80, v4, vm0, $0xb8;
	[tilespmem:$0x18100] =	vst v63  }
0xb4: {  	s12 =	simm.s32 $0x16900  }
0xb5: {  	[tilespmem:s12], [sflag:$0x2] =	stream.indirect_vreg.gather [hbm4b:s1+s3], $0x80, v3, vm0, $0xb8;
	[tilespmem:$0x18100] =	vst v63  }
0xb6: {  	s12 =	simm.s32 $0x17100  }
0xb7: {  	[tilespmem:s12], [sflag:$0x2] =	stream.indirect_vreg.gather [hbm4b:s4+s3], $0x80, v3, vm0, $0xb8;
	[tilespmem:$0x18100] =	vst v63  }
0xb8: {  	s12 =	simm.s32 $0x17900  }
0xb9: {  	[tilespmem:s12], [sflag:$0x2] =	stream.indirect_vreg.gather [hbm4b:s5+s3], $0x80, v3, vm0, $0xb8;
	[tilespmem:$0x18100] =	vst v63  }
0xba: {  	_ =	swait.ge [sflag:s8], $0xC000  }
0xbb: {  	[sflag:s8] =	ssyncset.done $0x0  }
0xbc: {  	s10 =	simm.s32 $0x100;
	s12 =	rddreg [dreg:$0x6];
	[sflag:s8] =	ssyncadd.s32 $0xFFFF4000  }
0xbd: {  	[hbm4b:s12+s3] =	stream.linear.scatter [tilespmem:s10], [sflag:$0x3], $0xC000, $0x38;
	[tilespmem:$0x18100] =	vst v63  }
0xbe: {  	_ =	swait.ge [sflag:s7], $0xC000  }
0xbf: {  	[sflag:s7] =	ssyncset.done $0x0  }
0xc0: {  	s12 =	rddreg [dreg:$0x7];
	[sflag:s7] =	ssyncadd.s32 $0xFFFF4000  }
0xc1: {  	[tilespmem:s3], [sflag:$0x3] =	stream.linear.gather [hbm4b:s12+s3], $0x40, $0x38;
	[tilespmem:$0x18100] =	vst v63  }
0xc2: {  	_ =	swait.ge [sflag:s7], $0x40  }
0xc3: {  	[sflag:s7] =	ssyncset.done $0x0  }
0xc4: {  	[sflag:s7] =	ssyncadd.s32 $0xFFFFFFC0  }
0xc5: {  	v3 =	vld [tilespmem:$0x0];
	_ =	sdelay $0x4  }
0xc6: {  	v56 =	vshrl.u32 v3, $0x3  }
0xc7: {  	v4 =	vmul.u32 $0x30, v56  }
0xc8: {  	v3 =	vand.u32 $0x7, v3  }
0xc9: {  	v3 =	vor.u32 v3, v4  }
0xca: {  	v4 =	vperm.xlane v3, v0;
	_ =	sdelay $0x1  }
0xcb: {  	v4 =	vadd.s32 v1, v4;
	_ =	sdelay $0x3  }
0xcc: {  	v3 =	vperm.xlane v3, v2  }
0xcd: {  	[tilespmem:s10], [sflag:$0x1] =	stream.indirect_vreg.gather [hbm4b:s1+s3], $0x80, v4, vm0, $0xb8;
	[tilespmem:$0x18100] =	vst v63  }
0xce: {  	v3 =	vadd.s32 v1, v3  }
0xcf: {  	[tilespmem:s13], [sflag:$0x1] =	stream.indirect_vreg.gather [hbm4b:s4+s3], $0x80, v4, vm0, $0xb8;
	[tilespmem:$0x18100] =	vst v63  }
0xd0: {  	_ = 	snop  }
0xd1: {  	[tilespmem:s14], [sflag:$0x1] =	stream.indirect_vreg.gather [hbm4b:s5+s3], $0x80, v4, vm0, $0xb8;
	[tilespmem:$0x18100] =	vst v63  }
0xd2: {  	_ = 	snop  }
0xd3: {  	[tilespmem:s15], [sflag:$0x1] =	stream.indirect_vreg.gather [hbm4b:s1+s3], $0x80, v3, vm0, $0xb8;
	[tilespmem:$0x18100] =	vst v63  }
0xd4: {  	_ = 	snop  }
0xd5: {  	[tilespmem:s16], [sflag:$0x1] =	stream.indirect_vreg.gather [hbm4b:s4+s3], $0x80, v3, vm0, $0xb8;
	[tilespmem:$0x18100] =	vst v63  }
0xd6: {  	_ = 	snop  }
0xd7: {  	[tilespmem:s17], [sflag:$0x1] =	stream.indirect_vreg.gather [hbm4b:s5+s3], $0x80, v3, vm0, $0xb8;
	[tilespmem:$0x18100] =	vst v63  }
0xd8: {  	v3 =	vld [tilespmem:$0x10];
	_ =	sdelay $0x4  }
0xd9: {  	v57 =	vshrl.u32 v3, $0x3  }
0xda: {  	v4 =	vmul.u32 $0x30, v57  }
0xdb: {  	v3 =	vand.u32 $0x7, v3  }
0xdc: {  	v3 =	vor.u32 v3, v4  }
0xdd: {  	v4 =	vperm.xlane v3, v0;
	_ =	sdelay $0x1  }
0xde: {  	v4 =	vadd.s32 v1, v4;
	_ =	sdelay $0x3  }
0xdf: {  	v3 =	vperm.xlane v3, v2  }
0xe0: {  	[tilespmem:s18], [sflag:$0x1] =	stream.indirect_vreg.gather [hbm4b:s1+s3], $0x80, v4, vm0, $0xb8;
	[tilespmem:$0x18100] =	vst v63  }
0xe1: {  	v3 =	vadd.s32 v1, v3  }
0xe2: {  	[tilespmem:s19], [sflag:$0x1] =	stream.indirect_vreg.gather [hbm4b:s4+s3], $0x80, v4, vm0, $0xb8;
	[tilespmem:$0x18100] =	vst v63  }
0xe3: {  	_ = 	snop  }
0xe4: {  	[tilespmem:s20], [sflag:$0x1] =	stream.indirect_vreg.gather [hbm4b:s5+s3], $0x80, v4, vm0, $0xb8;
	[tilespmem:$0x18100] =	vst v63  }
0xe5: {  	_ = 	snop  }
0xe6: {  	[tilespmem:s21], [sflag:$0x1] =	stream.indirect_vreg.gather [hbm4b:s1+s3], $0x80, v3, vm0, $0xb8;
	[tilespmem:$0x18100] =	vst v63  }
0xe7: {  	_ = 	snop  }
0xe8: {  	[tilespmem:s22], [sflag:$0x1] =	stream.indirect_vreg.gather [hbm4b:s4+s3], $0x80, v3, vm0, $0xb8;
	[tilespmem:$0x18100] =	vst v63  }
0xe9: {  	_ = 	snop  }
0xea: {  	[tilespmem:s23], [sflag:$0x1] =	stream.indirect_vreg.gather [hbm4b:s5+s3], $0x80, v3, vm0, $0xb8;
	[tilespmem:$0x18100] =	vst v63  }
0xeb: {  	v3 =	vld [tilespmem:$0x20];
	_ =	sdelay $0x4  }
0xec: {  	v58 =	vshrl.u32 v3, $0x3  }
0xed: {  	v4 =	vmul.u32 $0x30, v58  }
0xee: {  	v3 =	vand.u32 $0x7, v3  }
0xef: {  	v3 =	vor.u32 v3, v4  }
0xf0: {  	v4 =	vperm.xlane v3, v0;
	_ =	sdelay $0x1  }
0xf1: {  	v4 =	vadd.s32 v1, v4;
	_ =	sdelay $0x3  }
0xf2: {  	v3 =	vperm.xlane v3, v2  }
0xf3: {  	[tilespmem:s24], [sflag:$0x1] =	stream.indirect_vreg.gather [hbm4b:s1+s3], $0x80, v4, vm0, $0xb8;
	[tilespmem:$0x18100] =	vst v63  }
0xf4: {  	v3 =	vadd.s32 v1, v3  }
0xf5: {  	[tilespmem:s25], [sflag:$0x1] =	stream.indirect_vreg.gather [hbm4b:s4+s3], $0x80, v4, vm0, $0xb8;
	[tilespmem:$0x18100] =	vst v63  }
0xf6: {  	_ = 	snop  }
0xf7: {  	[tilespmem:s26], [sflag:$0x1] =	stream.indirect_vreg.gather [hbm4b:s5+s3], $0x80, v4, vm0, $0xb8;
	[tilespmem:$0x18100] =	vst v63  }
0xf8: {  	_ = 	snop  }
0xf9: {  	[tilespmem:s28], [sflag:$0x1] =	stream.indirect_vreg.gather [hbm4b:s1+s3], $0x80, v3, vm0, $0xb8;
	[tilespmem:$0x18100] =	vst v63  }
0xfa: {  	_ = 	snop  }
0xfb: {  	[tilespmem:s29], [sflag:$0x1] =	stream.indirect_vreg.gather [hbm4b:s4+s3], $0x80, v3, vm0, $0xb8;
	[tilespmem:$0x18100] =	vst v63  }
0xfc: {  	_ = 	snop  }
0xfd: {  	[tilespmem:s30], [sflag:$0x1] =	stream.indirect_vreg.gather [hbm4b:s5+s3], $0x80, v3, vm0, $0xb8;
	[tilespmem:$0x18100] =	vst v63  }
0xfe: {  	v3 =	vld [tilespmem:$0x30];
	_ =	sdelay $0x4  }
0xff: {  	v59 =	vshrl.u32 v3, $0x3  }
0x100: {  	v4 =	vmul.u32 $0x30, v59  }
0x101: {  	v3 =	vand.u32 $0x7, v3  }
0x102: {  	v3 =	vor.u32 v3, v4  }
0x103: {  	v4 =	vperm.xlane v3, v0;
	_ =	sdelay $0x1  }
0x104: {  	v4 =	vadd.s32 v1, v4;
	_ =	sdelay $0x3  }
0x105: {  	v3 =	vperm.xlane v3, v2  }
0x106: {  	[tilespmem:s31], [sflag:$0x1] =	stream.indirect_vreg.gather [hbm4b:s1+s3], $0x80, v4, vm0, $0xb8;
	[tilespmem:$0x18100] =	vst v63  }
0x107: {  	s12 =	simm.s32 $0x9900;
	v3 =	vadd.s32 v1, v3  }
0x108: {  	[tilespmem:s12], [sflag:$0x1] =	stream.indirect_vreg.gather [hbm4b:s4+s3], $0x80, v4, vm0, $0xb8;
	[tilespmem:$0x18100] =	vst v63  }
0x109: {  	s12 =	simm.s32 $0xA100  }
0x10a: {  	[tilespmem:s12], [sflag:$0x1] =	stream.indirect_vreg.gather [hbm4b:s5+s3], $0x80, v4, vm0, $0xb8;
	[tilespmem:$0x18100] =	vst v63  }
0x10b: {  	s12 =	simm.s32 $0xA900  }
0x10c: {  	[tilespmem:s12], [sflag:$0x1] =	stream.indirect_vreg.gather [hbm4b:s1+s3], $0x80, v3, vm0, $0xb8;
	[tilespmem:$0x18100] =	vst v63  }
0x10d: {  	_ = 	snop  }
0x10e: {  	[tilespmem:s9], [sflag:$0x1] =	stream.indirect_vreg.gather [hbm4b:s4+s3], $0x80, v3, vm0, $0xb8;
	[tilespmem:$0x18100] =	vst v63  }
0x10f: {  	_ = 	snop  }
0x110: {  	[tilespmem:s2], [sflag:$0x1] =	stream.indirect_vreg.gather [hbm4b:s5+s3], $0x80, v3, vm0, $0xb8;
	[tilespmem:$0x18100] =	vst v63  }
0x111: {  	_ =	swait.ge [sflag:s11], $0xC000  }
0x112: {  	[sflag:s11] =	ssyncset.done $0x0  }
0x113: {  	s10 =	rddreg [dreg:$0x8];
	[sflag:s11] =	ssyncadd.s32 $0xFFFF4000  }
0x114: {  	[hbm4b:s10+s3] =	stream.linear.scatter [tilespmem:s0], [sflag:$0x3], $0xC000, $0x38;
	[tilespmem:$0x18100] =	vst v63  }
0x115: {  	_ =	swait.ge [sflag:s7], $0xC000  }
0x116: {  	[sflag:s7] =	ssyncset.done $0x0  }
0x117: {  	s10 =	simm.s32 $0x80;
	s2 =	rddreg [dreg:$0x9];
	[sflag:s7] =	ssyncadd.s32 $0xFFFF4000  }
0x118: {  	[tilespmem:s10], [sflag:$0x3] =	stream.linear.gather [hbm4b:s2+s3], $0x40, $0x38;
	[tilespmem:$0x18100] =	vst v63  }
0x119: {  	_ =	swait.ge [sflag:s7], $0x40  }
0x11a: {  	[sflag:s7] =	ssyncset.done $0x0  }
0x11b: {  	[sflag:s7] =	ssyncadd.s32 $0xFFFFFFC0  }
0x11c: {  	v3 =	vld [tilespmem:$0x80];
	_ =	sdelay $0x4  }
0x11d: {  	v60 =	vshrl.u32 v3, $0x3  }
0x11e: {  	v4 =	vmul.u32 $0x30, v60  }
0x11f: {  	v3 =	vand.u32 $0x7, v3  }
0x120: {  	v3 =	vor.u32 v3, v4  }
0x121: {  	v4 =	vperm.xlane v3, v0;
	_ =	sdelay $0x1  }
0x122: {  	v4 =	vadd.s32 v1, v4;
	_ =	sdelay $0x3  }
0x123: {  	v3 =	vperm.xlane v3, v2  }
0x124: {  	[tilespmem:s0], [sflag:$0x2] =	stream.indirect_vreg.gather [hbm4b:s1+s3], $0x80, v4, vm0, $0xb8;
	[tilespmem:$0x18100] =	vst v63  }
0x125: {  	s12 =	simm.s32 $0xC900;
	v3 =	vadd.s32 v1, v3  }
0x126: {  	[tilespmem:s12], [sflag:$0x2] =	stream.indirect_vreg.gather [hbm4b:s4+s3], $0x80, v4, vm0, $0xb8;
	[tilespmem:$0x18100] =	vst v63  }
0x127: {  	s10 =	simm.s32 $0xD100  }
0x128: {  	[tilespmem:s10], [sflag:$0x2] =	stream.indirect_vreg.gather [hbm4b:s5+s3], $0x80, v4, vm0, $0xb8;
	[tilespmem:$0x18100] =	vst v63  }
0x129: {  	s12 =	simm.s32 $0xD900  }
0x12a: {  	[tilespmem:s12], [sflag:$0x2] =	stream.indirect_vreg.gather [hbm4b:s1+s3], $0x80, v3, vm0, $0xb8;
	[tilespmem:$0x18100] =	vst v63  }
0x12b: {  	s10 =	simm.s32 $0xE100  }
0x12c: {  	[tilespmem:s10], [sflag:$0x2] =	stream.indirect_vreg.gather [hbm4b:s4+s3], $0x80, v3, vm0, $0xb8;
	[tilespmem:$0x18100] =	vst v63  }
0x12d: {  	s12 =	simm.s32 $0xE900  }
0x12e: {  	[tilespmem:s12], [sflag:$0x2] =	stream.indirect_vreg.gather [hbm4b:s5+s3], $0x80, v3, vm0, $0xb8;
	[tilespmem:$0x18100] =	vst v63  }
0x12f: {  	v3 =	vld [tilespmem:$0x90];
	_ =	sdelay $0x4  }
0x130: {  	v61 =	vshrl.u32 v3, $0x3  }
0x131: {  	v4 =	vmul.u32 $0x30, v61  }
0x132: {  	v3 =	vand.u32 $0x7, v3  }
0x133: {  	v3 =	vor.u32 v3, v4  }
0x134: {  	v4 =	vperm.xlane v3, v0;
	_ =	sdelay $0x1  }
0x135: {  	v4 =	vadd.s32 v1, v4;
	_ =	sdelay $0x3  }
0x136: {  	s10 =	simm.s32 $0xF100;
	v3 =	vperm.xlane v3, v2  }
0x137: {  	[tilespmem:s10], [sflag:$0x2] =	stream.indirect_vreg.gather [hbm4b:s1+s3], $0x80, v4, vm0, $0xb8;
	[tilespmem:$0x18100] =	vst v63  }
0x138: {  	s12 =	simm.s32 $0xF900;
	v3 =	vadd.s32 v1, v3  }
0x139: {  	[tilespmem:s12], [sflag:$0x2] =	stream.indirect_vreg.gather [hbm4b:s4+s3], $0x80, v4, vm0, $0xb8;
	[tilespmem:$0x18100] =	vst v63  }
0x13a: {  	s10 =	simm.s32 $0x10100  }
0x13b: {  	[tilespmem:s10], [sflag:$0x2] =	stream.indirect_vreg.gather [hbm4b:s5+s3], $0x80, v4, vm0, $0xb8;
	[tilespmem:$0x18100] =	vst v63  }
0x13c: {  	s12 =	simm.s32 $0x10900  }
0x13d: {  	[tilespmem:s12], [sflag:$0x2] =	stream.indirect_vreg.gather [hbm4b:s1+s3], $0x80, v3, vm0, $0xb8;
	[tilespmem:$0x18100] =	vst v63  }
0x13e: {  	s10 =	simm.s32 $0x11100  }
0x13f: {  	[tilespmem:s10], [sflag:$0x2] =	stream.indirect_vreg.gather [hbm4b:s4+s3], $0x80, v3, vm0, $0xb8;
	[tilespmem:$0x18100] =	vst v63  }
0x140: {  	s12 =	simm.s32 $0x11900  }
0x141: {  	[tilespmem:s12], [sflag:$0x2] =	stream.indirect_vreg.gather [hbm4b:s5+s3], $0x80, v3, vm0, $0xb8;
	[tilespmem:$0x18100] =	vst v63  }
0x142: {  	v3 =	vld [tilespmem:$0xA0];
	_ =	sdelay $0x4  }
0x143: {  	v62 =	vshrl.u32 v3, $0x3  }
0x144: {  	v4 =	vmul.u32 $0x30, v62  }
0x145: {  	v3 =	vand.u32 $0x7, v3  }
0x146: {  	v3 =	vor.u32 v3, v4  }
0x147: {  	v4 =	vperm.xlane v3, v0;
	_ =	sdelay $0x1  }
0x148: {  	v4 =	vadd.s32 v1, v4;
	_ =	sdelay $0x3  }
0x149: {  	s10 =	simm.s32 $0x12100;
	v3 =	vperm.xlane v3, v2  }
0x14a: {  	[tilespmem:s10], [sflag:$0x2] =	stream.indirect_vreg.gather [hbm4b:s1+s3], $0x80, v4, vm0, $0xb8;
	[tilespmem:$0x18100] =	vst v63  }
0x14b: {  	s12 =	simm.s32 $0x12900;
	v3 =	vadd.s32 v1, v3  }
0x14c: {  	[tilespmem:s12], [sflag:$0x2] =	stream.indirect_vreg.gather [hbm4b:s4+s3], $0x80, v4, vm0, $0xb8;
	[tilespmem:$0x18100] =	vst v63  }
0x14d: {  	s10 =	simm.s32 $0x13100  }
0x14e: {  	[tilespmem:s10], [sflag:$0x2] =	stream.indirect_vreg.gather [hbm4b:s5+s3], $0x80, v4, vm0, $0xb8;
	[tilespmem:$0x18100] =	vst v63  }
0x14f: {  	s12 =	simm.s32 $0x13900  }
0x150: {  	[tilespmem:s12], [sflag:$0x2] =	stream.indirect_vreg.gather [hbm4b:s1+s3], $0x80, v3, vm0, $0xb8;
	[tilespmem:$0x18100] =	vst v63  }
0x151: {  	s10 =	simm.s32 $0x14100  }
0x152: {  	[tilespmem:s10], [sflag:$0x2] =	stream.indirect_vreg.gather [hbm4b:s4+s3], $0x80, v3, vm0, $0xb8;
	[tilespmem:$0x18100] =	vst v63  }
0x153: {  	s12 =	simm.s32 $0x14900  }
0x154: {  	[tilespmem:s12], [sflag:$0x2] =	stream.indirect_vreg.gather [hbm4b:s5+s3], $0x80, v3, vm0, $0xb8;
	[tilespmem:$0x18100] =	vst v63  }
0x155: {  	v3 =	vld [tilespmem:$0xB0];
	_ =	sdelay $0x4  }
0x156: {  	v63 =	vshrl.u32 v3, $0x3  }
0x157: {  	v4 =	vmul.u32 $0x30, v63  }
0x158: {  	v3 =	vand.u32 $0x7, v3  }
0x159: {  	v3 =	vor.u32 v3, v4  }
0x15a: {  	v4 =	vperm.xlane v3, v0;
	_ =	sdelay $0x1  }
0x15b: {  	v4 =	vadd.s32 v1, v4;
	_ =	sdelay $0x3  }
0x15c: {  	s10 =	simm.s32 $0x15100;
	v3 =	vperm.xlane v3, v2  }
0x15d: {  	[tilespmem:s10], [sflag:$0x2] =	stream.indirect_vreg.gather [hbm4b:s1+s3], $0x80, v4, vm0, $0xb8;
	[tilespmem:$0x18100] =	vst v63  }
0x15e: {  	s12 =	simm.s32 $0x15900;
	v3 =	vadd.s32 v1, v3  }
0x15f: {  	[tilespmem:s12], [sflag:$0x2] =	stream.indirect_vreg.gather [hbm4b:s4+s3], $0x80, v4, vm0, $0xb8;
	[tilespmem:$0x18100] =	vst v63  }
0x160: {  	s10 =	simm.s32 $0x16100  }
0x161: {  	[tilespmem:s10], [sflag:$0x2] =	stream.indirect_vreg.gather [hbm4b:s5+s3], $0x80, v4, vm0, $0xb8;
	[tilespmem:$0x18100] =	vst v63  }
0x162: {  	s12 =	simm.s32 $0x16900  }
0x163: {  	[tilespmem:s12], [sflag:$0x2] =	stream.indirect_vreg.gather [hbm4b:s1+s3], $0x80, v3, vm0, $0xb8;
	[tilespmem:$0x18100] =	vst v63  }
0x164: {  	s10 =	simm.s32 $0x17100  }
0x165: {  	[tilespmem:s10], [sflag:$0x2] =	stream.indirect_vreg.gather [hbm4b:s4+s3], $0x80, v3, vm0, $0xb8;
	[tilespmem:$0x18100] =	vst v63  }
0x166: {  	s12 =	simm.s32 $0x17900  }
0x167: {  	[tilespmem:s12], [sflag:$0x2] =	stream.indirect_vreg.gather [hbm4b:s5+s3], $0x80, v3, vm0, $0xb8;
	[tilespmem:$0x18100] =	vst v63  }
0x168: {  	_ =	swait.ge [sflag:s8], $0xC000  }
0x169: {  	[sflag:s8] =	ssyncset.done $0x0  }
0x16a: {  	s10 =	simm.s32 $0x100;
	s2 =	rddreg [dreg:$0xa];
	[sflag:s8] =	ssyncadd.s32 $0xFFFF4000  }
0x16b: {  	[hbm4b:s2+s3] =	stream.linear.scatter [tilespmem:s10], [sflag:$0x3], $0xC000, $0x38;
	[tilespmem:$0x18100] =	vst v63  }
0x16c: {  	_ =	swait.ge [sflag:s7], $0xC000  }
0x16d: {  	[sflag:s7] =	ssyncset.done $0x0  }
0x16e: {  	[sflag:s7] =	ssyncadd.s32 $0xFFFF4000  }
0x16f: {  	_ =	swait.ge [sflag:s11], $0xC000  }
0x170: {  	p0 =	sne.s32 s6, $0x1;
	[sflag:s11] =	ssyncset.done $0x0  }
.Ltmp0:
0x171: {  	s10 =	rddreg [dreg:$0xb];
	[sflag:s11] =	ssyncadd.s32 $0xFFFF4000;
	(pc) =	sbr.rel @p0 .LBB2_1-.Ltmp0, $4  }
0x172: {  	[hbm4b:s10+s3] =	stream.linear.scatter [tilespmem:s0], [sflag:$0x3], $0xC000, $0x38;
	[tilespmem:$0x18100] =	vst v63  }
0x173: {  	_ =	swait.ge [sflag:s7], $0xC000  }
0x174: {  	[sflag:s7] =	ssyncset.done $0x0  }
0x175: {  	s6 =	sadd.s32 $0xFFFFFFFF, s6;
	[sflag:s7] =	ssyncadd.s32 $0xFFFF4000  }
0x176: {  	_ =	sfence.sel $0x180000  }
0x177: {  	[bflag:$0x0] =	sbarrier.arrive $0xFFFF  }
0x178: {  	_ =	strace $0x9000004A  }
0x179: {  	s0 =	stileid.u32;
	[bflag:$0x2] =	sbarrier.arrive $0xFFFF  }
0x17a: {  	p0 =	sne.s32 s0, $0x0;
	s0 =	rddreg [dreg:$0x3]  }
0x17b: {  	s0 =	sadd.s32 @!p0 $0x100000, s0  }
0x17c: {  	[sflag:s0] =	ssyncadd.tile.s32 @!p0 $0x1;
	_ =	shalt  }
.Lfunc_end2:
_tile_overlayer_lowered:
.L_overlay_start_2:
0x17d: {  	(tag) =	ssettag $0x2  }
0x17e: {  	s0 =	rddreg [dreg:$0x0];
	s2 =	stileid.u32  }
0x17f: {  	s1 =	rddreg [dreg:$0x1];
	p0 =	sne.s32 s2, $0x0  }
0x180: {  	s3 =	rddreg [dreg:$0x2];
	[bflag:$0x3] =	sbarrier.arrive $0xFFFF;
	s2 =	simm.s32 @!p0 $0x1C03  }
0x181: {  	[timem:s3], [sflag:s2] =	dma.local @!p0 [hbm:s0], s1  }
0x182: {  	s0 =	simm.s32 @!p0 $0x3  }
0x183: {  	_ =	swait.ge @!p0 [sflag:s0], s1  }
0x184: {  	s1 =	ssub.s32 @!p0 $0x0, s1;
	[sflag:s0] =	ssyncset.done @!p0 $0x0  }
0x185: {  	[sflag:s0] =	ssyncadd.s32 @!p0 s1  }
0x186: {  	[bflag:$0x3] =	sbarrier.arrive $0xFFFF  }
0x187: {  	_ =	shalt  }

// kernel: kernel.9.cloned.1.call-start
scs
__scs_entry_jumppad:
0x0: {  	(pc) =	sbr.rel $0x88, $3  }
0x1: {  	(tag) =	ssettag $0x0;
	lr =	simm.s32 $0x1  }
0x2: {  	[smem:$0x3F96] =	sst lr;
	_ =	strace $0xD0000000  }
0x3: {  	_ = 	snop  }
0x4: {  	_ = 	snop  }
0x5: {  	_ = 	snop  }
0x6: {  	_ = 	snop  }
0x7: {  	_ = 	snop  }
__scs_overlays_trampoline_lowered:
0x8: {  	[smem:$0x3FA5] =	sst s0  }
0x9: {  	[smem:$0x3FA6] =	sst s1  }
0xa: {  	[smem:$0x3FA7] =	sst s2  }
0xb: {  	[smem:$0x3FA8] =	sst s3  }
0xc: {  	[smem:$0x3FA9] =	sst s4  }
0xd: {  	[smem:$0x3FAA] =	sst s5  }
0xe: {  	[smem:$0x3FAB] =	sst s6  }
0xf: {  	[smem:$0x3FAC] =	sst s7  }
0x10: {  	[smem:$0x3FAD] =	sst s8  }
0x11: {  	[smem:$0x3FAE] =	sst s9;
	s0 =	simm.s32 @!p0 $0x0  }
0x12: {  	s1 =	sld [smem:$0x3F94];
	s0 =	simm.s32 @p0 $0x1  }
0x13: {  	[smem:$0x3FAF] =	sst s0;
	s0 =	simm.s32 @!p1 $0x0  }
0x14: {  	s2 =	sld [smem:$0x3F93];
	s0 =	simm.s32 @p1 $0x1  }
0x15: {  	[smem:$0x3FB0] =	sst s0;
	s0 =	simm.s32 @!p2 $0x0  }
0x16: {  	s3 =	sld [smem:$0x3FDB];
	s0 =	simm.s32 @p2 $0x1  }
0x17: {  	s4 =	simm.s32 $0x1BF5;
	[smem:$0x3FB2] =	sst s0  }
0x18: {  	s0 =	sld [smem:$0x3F95];
	_ =	swait.ge [sflag:s4], $0x0  }
0x19: {  	s7 =	sld [smem:$0x3F96]  }
0x1a: {  	s8 =	sadd.s32 $0xFFFFE003, lr  }
0x1b: {  	s9 =	sadd.s32 $0xFFFFFEF7, lr;
	s5 =	simm.s32 $0xFFFFFFFF;
	p2 =	slt.u32 s8, $0xFFFFF086  }
0x1c: {  	p1 =	slt.u32 s9, $0xF7A;
	s5 =	simm.s32 @!p2 $0x0  }
0x1d: {  	s5 =	simm.s32 @p1 $0x1;
	p0 =	seq.s32 s7, s2  }
0x1e: {  	s7 =	smul.u32 @!p0 $0xF7A, s2;
	p2 =	seq.s32 @!p0 s5, $0x0  }
0x1f: {  	s9 =	smul.u32 $0xF7A, s1;
	s8 =	simm.s32 @!p0 $0x1BF5;
	p2 =	por !p2, p0  }
0x20: {  	[sflag:s8] =	ssyncset.s32 @!p0 $0xFFFFF086;
	s6 =	sadd.s32 @!p0 s3, s7;
	s7 =	simm.s32 @!p0 $0x108  }
0x21: {  	s3 =	sadd.s32 s3, s9;
	s6 =	sadd.s32 @!p0 $0x88, s6;
	s7 =	simm.s32 @p2 $0x1082  }
0x22: {  	[simem:s7], [sflag:s8] =	dma.local @!p0 [hbm:s6], $0xF7A  }
0x23: {  	s9 =	sor.u32 $0xD0000000, s2;
	s6 =	simm.s32 $0x108;
	_ =	swait.ge @!p0 [sflag:s8], $0x0  }
0x24: {  	s3 =	sadd.s32 $0x88, s3;
	s6 =	simm.s32 @!p1 $0x1082;
	[sflag:s4] =	ssyncset.s32 $0xFFFFF086  }
0x25: {  	[simem:s6], [sflag:s4] =	dma.local [hbm:s3], $0xF7A  }
0x26: {  	[smem:$0x3F96] =	sst s1;
	(tag) =	ssettag s2;
	_ =	strace s9  }
0x27: {  	s1 =	sld [smem:$0x3FA6]  }
0x28: {  	s2 =	sld [smem:$0x3FA7]  }
0x29: {  	s4 =	sld [smem:$0x3FA9]  }
0x2a: {  	p0 =	seq.s32 s5, $0x0;
	s5 =	sld [smem:$0x3FAA]  }
0x2b: {  	s6 =	sld [smem:$0x3FAB]  }
0x2c: {  	s7 =	sld [smem:$0x3FAC]  }
0x2d: {  	s3 =	simm.s32 $0x108;
	s8 =	sld [smem:$0x3FAD]  }
0x2e: {  	s3 =	simm.s32 @!p0 $0x1082;
	s9 =	sld [smem:$0x3FAE]  }
0x2f: {  	lr =	sadd.s32 s0, s3;
	s0 =	sld [smem:$0x3FA5]  }
0x30: {  	s3 =	sld [smem:$0x3FA8]  }
0x31: {  	[smem:$0x3FB1] =	sst s10  }
0x32: {  	s10 =	sld [smem:$0x3FAF];
	_ =	sdelay $0x3  }
0x33: {  	p0 =	seq.s32 s10, $0x1;
	s10 =	sld [smem:$0x3FB1];
	_ =	sdelay $0x3  }
0x34: {  	[smem:$0x3FB1] =	sst s10  }
0x35: {  	s10 =	sld [smem:$0x3FB0];
	_ =	sdelay $0x3  }
0x36: {  	p1 =	seq.s32 s10, $0x1;
	s10 =	sld [smem:$0x3FB1];
	_ =	sdelay $0x3  }
0x37: {  	[smem:$0x3FB1] =	sst s10  }
0x38: {  	s10 =	sld [smem:$0x3FB2]  }
0x39: {  	_ = 	snop;
	(pc) =	sbr.ind lr, $3  }
0x3a: {  	_ = 	snop  }
0x3b: {  	_ = 	snop  }
0x3c: {  	p2 =	seq.s32 s10, $0x1;
	s10 =	sld [smem:$0x3FB1]  }
0x3d: {  	_ =	shalt  }
0x3e: {  	_ =	shalt  }
0x3f: {  	_ =	shalt  }
0x40: {  	_ =	shalt  }
0x41: {  	_ =	shalt  }
0x42: {  	_ =	shalt  }
0x43: {  	_ =	shalt  }
0x44: {  	_ =	shalt  }
0x45: {  	_ =	shalt  }
0x46: {  	_ =	shalt  }
0x47: {  	_ =	shalt  }
0x48: {  	_ =	shalt  }
0x49: {  	_ =	shalt  }
0x4a: {  	_ =	shalt  }
0x4b: {  	_ =	shalt  }
0x4c: {  	_ =	shalt  }
0x4d: {  	_ =	shalt  }
0x4e: {  	_ =	shalt  }
0x4f: {  	_ =	shalt  }
0x50: {  	_ =	shalt  }
0x51: {  	_ =	shalt  }
0x52: {  	_ =	shalt  }
0x53: {  	_ =	shalt  }
0x54: {  	_ =	shalt  }
0x55: {  	_ =	shalt  }
0x56: {  	_ =	shalt  }
0x57: {  	_ =	shalt  }
0x58: {  	_ =	shalt  }
0x59: {  	_ =	shalt  }
0x5a: {  	_ =	shalt  }
0x5b: {  	_ =	shalt  }
0x5c: {  	_ =	shalt  }
0x5d: {  	_ =	shalt  }
0x5e: {  	_ =	shalt  }
0x5f: {  	_ =	shalt  }
0x60: {  	_ =	shalt  }
0x61: {  	_ =	shalt  }
0x62: {  	_ =	shalt  }
0x63: {  	_ =	shalt  }
0x64: {  	_ =	shalt  }
0x65: {  	_ =	shalt  }
0x66: {  	_ =	shalt  }
0x67: {  	_ =	shalt  }
0x68: {  	_ =	shalt  }
0x69: {  	_ =	shalt  }
0x6a: {  	_ =	shalt  }
0x6b: {  	_ =	shalt  }
0x6c: {  	_ =	shalt  }
0x6d: {  	_ =	shalt  }
0x6e: {  	_ =	shalt  }
0x6f: {  	_ =	shalt  }
0x70: {  	_ =	shalt  }
0x71: {  	_ =	shalt  }
0x72: {  	_ =	shalt  }
0x73: {  	_ =	shalt  }
0x74: {  	_ =	shalt  }
0x75: {  	_ =	shalt  }
0x76: {  	_ =	shalt  }
0x77: {  	_ =	shalt  }
0x78: {  	_ =	shalt  }
0x79: {  	_ =	shalt  }
0x7a: {  	_ =	shalt  }
0x7b: {  	_ =	shalt  }
0x7c: {  	_ =	shalt  }
0x7d: {  	_ =	shalt  }
0x7e: {  	_ =	shalt  }
0x7f: {  	_ =	shalt  }
0x80: {  	_ =	shalt  }
0x81: {  	_ =	shalt  }
0x82: {  	_ =	shalt  }
0x83: {  	_ =	shalt  }
0x84: {  	_ =	shalt  }
0x85: {  	_ =	shalt  }
0x86: {  	_ =	shalt  }
0x87: {  	_ =	shalt  }
.Lfunc_end0:
.L_simem_size_0:
called_computation.1_lowered:
.L_overlay_start_0:
0x88: {  	s2 =	sld [smem:$0x3FD9]  }
0x89: {  	s3 =	sld [smem:$0x3FFE];
	_ =	sdelay $0x1  }
0x8a: {  	s1 =	srdreg.scid  }
0x8b: {  	s0 =	sand.u32 $0x1, s1  }
0x8c: {  	s14 =	sshll.u32 s0, $0xA;
	s2 =	sadd.s32 s3, s2  }
0x8d: {  	s2 =	sadd.s32 s2, s14  }
0x8e: {  	[smem:$0x3FBD] =	sst s2  }
0x8f: {  	_ = 	snop  }
0x90: {  	s2 =	sld [smem:$0x3FD0];
	_ =	sdelay $0x2  }
0x91: {  	s15 =	simm.s32 $0xB;
	s4 =	simm.s32 $0x10  }
0x92: {  	[smem:s4], [sflag:s15] =	dma.local [hbm:s2], $0x1  }
0x93: {  	_ =	swait.eq [sflag:s15], $0x1  }
0x94: {  	[sflag:s15] =	ssyncset.done $0x0  }
0x95: {  	s16 =	sld [smem:$0x12];
	[sflag:s15] =	ssyncadd.s32 $0xFFFFFFFF  }
0x96: {  	s17 =	sld [smem:$0x13];
	(tm) =	ssettm $0x1  }
0x97: {  	s18 =	sld [smem:$0x3FFB];
	_ =	sdelay $0x3  }
0x98: {  	_ =	strace s18  }
0x99: {  	s4 =	sld [smem:$0x3FFC];
	_ =	sdelay $0x3  }
0x9a: {  	_ =	strace s4  }
0x9b: {  	s4 =	sld [smem:$0x3FFD];
	_ =	sdelay $0x3  }
0x9c: {  	_ =	strace s4  }
0x9d: {  	_ =	strace $0x8FFFFFFF  }
0x9e: {  	s19 =	sld [smem:$0x3FDB];
	_ =	sdelay $0x1  }
0x9f: {  	s5 =	simm.s32 $_scs_section_size  }
0xa0: {  	s6 =	simm.s32 $_size__tile_overlayer_lowered;
	s7 =	simm.s32 $_tile_overlayer_lowered  }
0xa1: {  	s22 =	simm.s32 $0x1BFF;
	s21 =	sshll.u32 s7, $0x1;
	s4 =	sadd.s32 s5, s19  }
0xa2: {  	s8 =	simm.s32 $0x0;
	s20 =	sshll.u32 s6, $0x1;
	s6 =	sadd.s32 s21, s4  }
0xa3: {  	[timem:s8], [sflag:s22] =	dma.local [hbm:s6], s20  }
0xa4: {  	_ =	swait.ge [sflag:s22], s20  }
0xa5: {  	s5 =	ssub.s32 $0x0, s20;
	[sflag:s22] =	ssyncset.done $0x0  }
0xa6: {  	[sflag:s22] =	ssyncadd.s32 s5;
	_ =	sdelay $0x1  }
0xa7: {  	s23 =	simm.s32 $0x1B8B  }
0xa8: {  	_ =	swait.ge [sflag:s23], $0x1  }
0xa9: {  	[sflag:s23] =	ssyncset.done $0x0  }
0xaa: {  	s25 =	simm.s32 $0x1B8E;
	s24 =	sld [smem:$0x3FFE];
	[sflag:s23] =	ssyncadd.s32 $0xFFFFFFFF  }
0xab: {  	s26 =	simm.s32 $execute0_lowered;
	[smem:$0x3FD2] =	sst s25  }
0xac: {  	s6 =	sshll.u32 s26, $0x1;
	_ =	strace $0x80000046;
	[dreg:$0x1] =	wrdreg $0xFFFFFFFF  }
0xad: {  	s28 =	simm.s32 $_size_execute0_lowered;
	s4 =	sadd.s32 s4, s6;
	[dreg:$0x0] =	wrdreg $0x0  }
0xae: {  	s6 =	sshll.u32 s28, $0x1;
	[dreg:$0x2] =	wrdreg s4  }
0xaf: {  	[dreg:$0x3] =	wrdreg s6  }
0xb0: {  	[dreg:$0x4] =	wrdreg $0xC0  }
0xb1: {  	_ =	task [dreg:s8], $0x5FFFF  }
0xb2: {  	[dreg:$0x1] =	wrdreg $0xFFFFFFFF  }
0xb3: {  	[dreg:$0x0] =	wrdreg $0x60  }
0xb4: {  	[dreg:$0x2] =	wrdreg s17  }
0xb5: {  	[dreg:$0x3] =	wrdreg s24  }
0xb6: {  	[dreg:$0x4] =	wrdreg s16  }
0xb7: {  	[dreg:$0x5] =	wrdreg $0xA  }
0xb8: {  	_ =	task.clear_ibuf [dreg:s8], $0x6FFFF;
	_ =	strace $0x90000046  }
0xb9: {  	s29 =	simm.s32 $0xA;
	_ =	strace $0x80000048  }
0xba: {  	_ =	swait.ge [sflag:s29], $0x1  }
0xbb: {  	[sflag:s29] =	ssyncadd.s32 $0xFFFFFFFF  }
0xbc: {  	_ =	strace $0x90000048  }
0xbd: {  	_ =	sfence  }
0xbe: {  	s30 =	sld [smem:$0x0];
	_ =	sdelay $0x2  }
0xbf: {  	s31 =	sshll.u32 s1, $0xD;
	s1 =	sshrl.u32 s1, $0x2  }
0xc0: {  	s3 =	sand.u32 $0x4000, s31;
	s1 =	sadd.s32 s1, s30  }
0xc1: {  	s0 =	sor.u32 s3, s0;
	s1 =	sshll.u32 s1, $0x11  }
0xc2: {  	s0 =	sor.u32 s1, s0  }
0xc3: {  	s0 =	sadd.s32 $0x8F2B, s0  }
0xc4: {  	[sflag:s0] =	ssyncadd.remote.s32 $0x1  }
0xc5: {  	_ =	sfence.sel $0xFFFF  }
0xc6: {  	[dreg:$0x0] =	wrdreg $0xFFFFFFFF;
	(pc) =	sbr.abs _section_cstart, $3  }
0xc7: {  	[dreg:$0x1] =	wrdreg $0xFFFFFFFF  }
0xc8: {  	_ =	task.clear_ibuf [dreg:s8], $0x2FFFF;
	_ =	strace $0x9FFFFFFF  }
0xc9: {  	(tm) =	ssettm $0x7FFFFFFF  }
tec
execute0_lowered:
.L_overlay_start_1:
0x0: {  	(tag) =	ssettag $0x1  }
0x1: {  	s0 =	rddreg [dreg:$0x0]  }
0x2: {  	s1 =	rddreg [dreg:$0x1]  }
0x3: {  	s6 =	rddreg [dreg:$0x2];
	s3 =	srdreg.scid  }
0x4: {  	s2 =	simm.s32 $0x0;
	s4 =	stileid.u32;
	s11 =	simm.s32 $0x2  }
0x5: {  	s13 =	simm.s32 $0x900;
	s14 =	simm.s32 $0x1100;
	s15 =	simm.s32 $0x1900  }
0x6: {  	s16 =	simm.s32 $0x2100;
	s17 =	simm.s32 $0x2900;
	s18 =	simm.s32 $0x3100  }
0x7: {  	s19 =	simm.s32 $0x3900;
	s28 =	simm.s32 $0x7900;
	s29 =	simm.s32 $0x8100  }
0x8: {  	s30 =	simm.s32 $0x8900;
	s31 =	simm.s32 $0x9100;
	s3 =	sand.u32 $0x1, s3  }
0x9: {  	[smem:$0x7FF] =	sst s2;
	s4 =	sshll.u32 s4, $0x6;
	s5 =	sshll.u32 s3, $0x5  }
0xa: {  	_ =	strace $0x80000047;
	s7 =	ssub.s32 $0x2, s3;
	s4 =	sor.u32 s5, s4  }
0xb: {  	s3 =	sadd.s32 $0x1800, s1;
	s9 =	sshrl.u32 s7, $0x1;
	s20 =	sadd.s32 s0, s4  }
0xc: {  	s5 =	sor.u32 $0x8, s4;
	s8 =	smul.u32 $0x300, s4;
	s23 =	sor.u32 $0x10, s4  }
0xd: {  	s7 =	ssub.s32 s7, s9;
	s4 =	sor.u32 $0x18, s4;
	s9 =	simm.s32 $0xB100  }
0xe: {  	[dreg:$0x4] =	wrdreg s20;
	s21 =	sadd.s32 s0, s5;
	s5 =	smul.u32 $0x300, s5  }
0xf: {  	s10 =	sadd.s32 s0, s23;
	s0 =	sadd.s32 s0, s4;
	s24 =	smul.u32 $0x300, s4  }
0x10: {  	s4 =	sadd.s32 $0x1900, s1;
	s20 =	simm.s32 $0x4100;
	[dreg:$0x5] =	wrdreg s21  }
0x11: {  	s22 =	sadd.s32 s6, s8;
	[dreg:$0x7] =	wrdreg s10;
	s8 =	smul.u32 $0x300, s23  }
0x12: {  	[dreg:$0x9] =	wrdreg s0;
	s21 =	simm.s32 $0x4900;
	s23 =	simm.s32 $0x5900  }
0x13: {  	[dreg:$0x6] =	wrdreg s22;
	s5 =	sadd.s32 s6, s5;
	s26 =	sadd.s32 s6, s24  }
0x14: {  	s22 =	simm.s32 $0x5100;
	s24 =	simm.s32 $0x6100;
	[dreg:$0x8] =	wrdreg s5  }
0x15: {  	v2 =	vlaneseq.u32;
	s25 =	sadd.s32 s6, s8;
	s5 =	sadd.s32 $0x1A00, s1;
	[dreg:$0xb] =	wrdreg s26  }
0x16: {  	vm0 =	vmmov $0xffff;
	v1 =	vshrl.u32 v2, $0x3;
	s6 =	smax.u32 s7, $0x1;
	s7 =	simm.s32 $0x3;
	s8 =	simm.s32 $0x1  }
0x17: {  	v0 =	vand.u32 $0x7, v2;
	v2 =	vor.u32 $0x8, v2;
	v1 =	vmul.u32 $0x8, v1;
	s26 =	simm.s32 $0x7100;
	[dreg:$0xa] =	wrdreg s25;
	s25 =	simm.s32 $0x6900  }
.LBB2_1:
0x18: {  	s12 =	rddreg [dreg:$0x4]  }
0x19: {  	[tilespmem:s2], [sflag:$0x3] =	stream.linear.gather [hbm4b:s12+s2], $0x40, $0x38;
	[tilespmem:$0x18100] =	vst v63  }
0x1a: {  	_ =	swait.ge [sflag:s7], $0x40  }
0x1b: {  	[sflag:s7] =	ssyncset.done $0x0  }
0x1c: {  	[sflag:s7] =	ssyncadd.s32 $0xFFFFFFC0  }
0x1d: {  	v3 =	vld [tilespmem:$0x0];
	_ =	sdelay $0x4  }
0x1e: {  	v4 =	vshrl.u32 v3, $0x3  }
0x1f: {  	v4 =	vmul.u32 $0x30, v4  }
0x20: {  	v3 =	vand.u32 $0x7, v3  }
0x21: {  	v3 =	vor.u32 v3, v4  }
0x22: {  	v4 =	vperm.xlane v3, v0;
	_ =	sdelay $0x1  }
0x23: {  	v4 =	vadd.s32 v1, v4;
	_ =	sdelay $0x3  }
0x24: {  	s0 =	simm.s32 $0x100;
	v3 =	vperm.xlane v3, v2  }
0x25: {  	[tilespmem:s0], [sflag:$0x1] =	stream.indirect_vreg.gather [hbm4b:s3+s2], $0x80, v4, vm0, $0xb8;
	[tilespmem:$0x18100] =	vst v63  }
0x26: {  	v3 =	vadd.s32 v1, v3  }
0x27: {  	[tilespmem:s13], [sflag:$0x1] =	stream.indirect_vreg.gather [hbm4b:s4+s2], $0x80, v4, vm0, $0xb8;
	[tilespmem:$0x18100] =	vst v63  }
0x28: {  	_ = 	snop  }
0x29: {  	[tilespmem:s14], [sflag:$0x1] =	stream.indirect_vreg.gather [hbm4b:s5+s2], $0x80, v4, vm0, $0xb8;
	[tilespmem:$0x18100] =	vst v63  }
0x2a: {  	_ = 	snop  }
0x2b: {  	[tilespmem:s15], [sflag:$0x1] =	stream.indirect_vreg.gather [hbm4b:s3+s2], $0x80, v3, vm0, $0xb8;
	[tilespmem:$0x18100] =	vst v63  }
0x2c: {  	_ = 	snop  }
0x2d: {  	[tilespmem:s16], [sflag:$0x1] =	stream.indirect_vreg.gather [hbm4b:s4+s2], $0x80, v3, vm0, $0xb8;
	[tilespmem:$0x18100] =	vst v63  }
0x2e: {  	_ = 	snop  }
0x2f: {  	[tilespmem:s17], [sflag:$0x1] =	stream.indirect_vreg.gather [hbm4b:s5+s2], $0x80, v3, vm0, $0xb8;
	[tilespmem:$0x18100] =	vst v63  }
0x30: {  	v3 =	vld [tilespmem:$0x10];
	_ =	sdelay $0x4  }
0x31: {  	v49 =	vshrl.u32 v3, $0x3  }
0x32: {  	v4 =	vmul.u32 $0x30, v49  }
0x33: {  	v3 =	vand.u32 $0x7, v3  }
0x34: {  	v3 =	vor.u32 v3, v4  }
0x35: {  	v4 =	vperm.xlane v3, v0;
	_ =	sdelay $0x1  }
0x36: {  	v4 =	vadd.s32 v1, v4;
	_ =	sdelay $0x3  }
0x37: {  	v3 =	vperm.xlane v3, v2  }
0x38: {  	[tilespmem:s18], [sflag:$0x1] =	stream.indirect_vreg.gather [hbm4b:s3+s2], $0x80, v4, vm0, $0xb8;
	[tilespmem:$0x18100] =	vst v63  }
0x39: {  	v3 =	vadd.s32 v1, v3  }
0x3a: {  	[tilespmem:s19], [sflag:$0x1] =	stream.indirect_vreg.gather [hbm4b:s4+s2], $0x80, v4, vm0, $0xb8;
	[tilespmem:$0x18100] =	vst v63  }
0x3b: {  	_ = 	snop  }
0x3c: {  	[tilespmem:s20], [sflag:$0x1] =	stream.indirect_vreg.gather [hbm4b:s5+s2], $0x80, v4, vm0, $0xb8;
	[tilespmem:$0x18100] =	vst v63  }
0x3d: {  	_ = 	snop  }
0x3e: {  	[tilespmem:s21], [sflag:$0x1] =	stream.indirect_vreg.gather [hbm4b:s3+s2], $0x80, v3, vm0, $0xb8;
	[tilespmem:$0x18100] =	vst v63  }
0x3f: {  	_ = 	snop  }
0x40: {  	[tilespmem:s22], [sflag:$0x1] =	stream.indirect_vreg.gather [hbm4b:s4+s2], $0x80, v3, vm0, $0xb8;
	[tilespmem:$0x18100] =	vst v63  }
0x41: {  	_ = 	snop  }
0x42: {  	[tilespmem:s23], [sflag:$0x1] =	stream.indirect_vreg.gather [hbm4b:s5+s2], $0x80, v3, vm0, $0xb8;
	[tilespmem:$0x18100] =	vst v63  }
0x43: {  	v3 =	vld [tilespmem:$0x20];
	_ =	sdelay $0x4  }
0x44: {  	v50 =	vshrl.u32 v3, $0x3  }
0x45: {  	v4 =	vmul.u32 $0x30, v50  }
0x46: {  	v3 =	vand.u32 $0x7, v3  }
0x47: {  	v3 =	vor.u32 v3, v4  }
0x48: {  	v4 =	vperm.xlane v3, v0;
	_ =	sdelay $0x1  }
0x49: {  	v4 =	vadd.s32 v1, v4;
	_ =	sdelay $0x3  }
0x4a: {  	v3 =	vperm.xlane v3, v2  }
0x4b: {  	[tilespmem:s24], [sflag:$0x1] =	stream.indirect_vreg.gather [hbm4b:s3+s2], $0x80, v4, vm0, $0xb8;
	[tilespmem:$0x18100] =	vst v63  }
0x4c: {  	v3 =	vadd.s32 v1, v3  }
0x4d: {  	[tilespmem:s25], [sflag:$0x1] =	stream.indirect_vreg.gather [hbm4b:s4+s2], $0x80, v4, vm0, $0xb8;
	[tilespmem:$0x18100] =	vst v63  }
0x4e: {  	_ = 	snop  }
0x4f: {  	[tilespmem:s26], [sflag:$0x1] =	stream.indirect_vreg.gather [hbm4b:s5+s2], $0x80, v4, vm0, $0xb8;
	[tilespmem:$0x18100] =	vst v63  }
0x50: {  	_ = 	snop  }
0x51: {  	[tilespmem:s28], [sflag:$0x1] =	stream.indirect_vreg.gather [hbm4b:s3+s2], $0x80, v3, vm0, $0xb8;
	[tilespmem:$0x18100] =	vst v63  }
0x52: {  	_ = 	snop  }
0x53: {  	[tilespmem:s29], [sflag:$0x1] =	stream.indirect_vreg.gather [hbm4b:s4+s2], $0x80, v3, vm0, $0xb8;
	[tilespmem:$0x18100] =	vst v63  }
0x54: {  	_ = 	snop  }
0x55: {  	[tilespmem:s30], [sflag:$0x1] =	stream.indirect_vreg.gather [hbm4b:s5+s2], $0x80, v3, vm0, $0xb8;
	[tilespmem:$0x18100] =	vst v63  }
0x56: {  	v3 =	vld [tilespmem:$0x30];
	_ =	sdelay $0x4  }
0x57: {  	v51 =	vshrl.u32 v3, $0x3  }
0x58: {  	v4 =	vmul.u32 $0x30, v51  }
0x59: {  	v3 =	vand.u32 $0x7, v3  }
0x5a: {  	v3 =	vor.u32 v3, v4  }
0x5b: {  	v4 =	vperm.xlane v3, v0;
	_ =	sdelay $0x1  }
0x5c: {  	v4 =	vadd.s32 v1, v4;
	_ =	sdelay $0x3  }
0x5d: {  	v3 =	vperm.xlane v3, v2  }
0x5e: {  	[tilespmem:s31], [sflag:$0x1] =	stream.indirect_vreg.gather [hbm4b:s3+s2], $0x80, v4, vm0, $0xb8;
	[tilespmem:$0x18100] =	vst v63  }
0x5f: {  	s1 =	simm.s32 $0x9900;
	v3 =	vadd.s32 v1, v3  }
0x60: {  	[tilespmem:s1], [sflag:$0x1] =	stream.indirect_vreg.gather [hbm4b:s4+s2], $0x80, v4, vm0, $0xb8;
	[tilespmem:$0x18100] =	vst v63  }
0x61: {  	s10 =	simm.s32 $0xA100  }
0x62: {  	[tilespmem:s10], [sflag:$0x1] =	stream.indirect_vreg.gather [hbm4b:s5+s2], $0x80, v4, vm0, $0xb8;
	[tilespmem:$0x18100] =	vst v63  }
0x63: {  	s12 =	simm.s32 $0xA900  }
0x64: {  	[tilespmem:s12], [sflag:$0x1] =	stream.indirect_vreg.gather [hbm4b:s3+s2], $0x80, v3, vm0, $0xb8;
	[tilespmem:$0x18100] =	vst v63  }
0x65: {  	_ = 	snop  }
0x66: {  	[tilespmem:s9], [sflag:$0x1] =	stream.indirect_vreg.gather [hbm4b:s4+s2], $0x80, v3, vm0, $0xb8;
	[tilespmem:$0x18100] =	vst v63  }
0x67: {  	s1 =	simm.s32 $0xB900  }
0x68: {  	[tilespmem:s1], [sflag:$0x1] =	stream.indirect_vreg.gather [hbm4b:s5+s2], $0x80, v3, vm0, $0xb8;
	[tilespmem:$0x18100] =	vst v63  }
0x69: {  	s0 =	rddreg [dreg:$0x5];
	s10 =	simm.s32 $0x80  }
0x6a: {  	[tilespmem:s10], [sflag:$0x3] =	stream.linear.gather [hbm4b:s0+s2], $0x40, $0x38;
	[tilespmem:$0x18100] =	vst v63  }
0x6b: {  	_ =	swait.ge [sflag:s7], $0x40  }
0x6c: {  	[sflag:s7] =	ssyncset.done $0x0  }
0x6d: {  	[sflag:s7] =	ssyncadd.s32 $0xFFFFFFC0  }
0x6e: {  	v3 =	vld [tilespmem:$0x80];
	_ =	sdelay $0x4  }
0x6f: {  	v52 =	vshrl.u32 v3, $0x3  }
0x70: {  	v4 =	vmul.u32 $0x30, v52  }
0x71: {  	v3 =	vand.u32 $0x7, v3  }
0x72: {  	v3 =	vor.u32 v3, v4  }
0x73: {  	v4 =	vperm.xlane v3, v0;
	_ =	sdelay $0x1  }
0x74: {  	v4 =	vadd.s32 v1, v4;
	_ =	sdelay $0x3  }
0x75: {  	s0 =	simm.s32 $0xC100;
	v3 =	vperm.xlane v3, v2  }
0x76: {  	[tilespmem:s0], [sflag:$0x2] =	stream.indirect_vreg.gather [hbm4b:s3+s2], $0x80, v4, vm0, $0xb8;
	[tilespmem:$0x18100] =	vst v63  }
0x77: {  	s10 =	simm.s32 $0xC900;
	v3 =	vadd.s32 v1, v3  }
0x78: {  	[tilespmem:s10], [sflag:$0x2] =	stream.indirect_vreg.gather [hbm4b:s4+s2], $0x80, v4, vm0, $0xb8;
	[tilespmem:$0x18100] =	vst v63  }
0x79: {  	s12 =	simm.s32 $0xD100  }
0x7a: {  	[tilespmem:s12], [sflag:$0x2] =	stream.indirect_vreg.gather [hbm4b:s5+s2], $0x80, v4, vm0, $0xb8;
	[tilespmem:$0x18100] =	vst v63  }
0x7b: {  	s12 =	simm.s32 $0xD900  }
0x7c: {  	[tilespmem:s12], [sflag:$0x2] =	stream.indirect_vreg.gather [hbm4b:s3+s2], $0x80, v3, vm0, $0xb8;
	[tilespmem:$0x18100] =	vst v63  }
0x7d: {  	s12 =	simm.s32 $0xE100  }
0x7e: {  	[tilespmem:s12], [sflag:$0x2] =	stream.indirect_vreg.gather [hbm4b:s4+s2], $0x80, v3, vm0, $0xb8;
	[tilespmem:$0x18100] =	vst v63  }
0x7f: {  	s12 =	simm.s32 $0xE900  }
0x80: {  	[tilespmem:s12], [sflag:$0x2] =	stream.indirect_vreg.gather [hbm4b:s5+s2], $0x80, v3, vm0, $0xb8;
	[tilespmem:$0x18100] =	vst v63  }
0x81: {  	v3 =	vld [tilespmem:$0x90];
	_ =	sdelay $0x4  }
0x82: {  	v53 =	vshrl.u32 v3, $0x3  }
0x83: {  	v4 =	vmul.u32 $0x30, v53  }
0x84: {  	v3 =	vand.u32 $0x7, v3  }
0x85: {  	v3 =	vor.u32 v3, v4  }
0x86: {  	v4 =	vperm.xlane v3, v0;
	_ =	sdelay $0x1  }
0x87: {  	v4 =	vadd.s32 v1, v4;
	_ =	sdelay $0x3  }
0x88: {  	s12 =	simm.s32 $0xF100;
	v3 =	vperm.xlane v3, v2  }
0x89: {  	[tilespmem:s12], [sflag:$0x2] =	stream.indirect_vreg.gather [hbm4b:s3+s2], $0x80, v4, vm0, $0xb8;
	[tilespmem:$0x18100] =	vst v63  }
0x8a: {  	v3 =	vadd.s32 v1, v3;
	s12 =	simm.s32 $0xF900  }
0x8b: {  	[tilespmem:s12], [sflag:$0x2] =	stream.indirect_vreg.gather [hbm4b:s4+s2], $0x80, v4, vm0, $0xb8;
	[tilespmem:$0x18100] =	vst v63  }
0x8c: {  	s12 =	simm.s32 $0x10100  }
0x8d: {  	[tilespmem:s12], [sflag:$0x2] =	stream.indirect_vreg.gather [hbm4b:s5+s2], $0x80, v4, vm0, $0xb8;
	[tilespmem:$0x18100] =	vst v63  }
0x8e: {  	s12 =	simm.s32 $0x10900  }
0x8f: {  	[tilespmem:s12], [sflag:$0x2] =	stream.indirect_vreg.gather [hbm4b:s3+s2], $0x80, v3, vm0, $0xb8;
	[tilespmem:$0x18100] =	vst v63  }
0x90: {  	s12 =	simm.s32 $0x11100  }
0x91: {  	[tilespmem:s12], [sflag:$0x2] =	stream.indirect_vreg.gather [hbm4b:s4+s2], $0x80, v3, vm0, $0xb8;
	[tilespmem:$0x18100] =	vst v63  }
0x92: {  	s12 =	simm.s32 $0x11900  }
0x93: {  	[tilespmem:s12], [sflag:$0x2] =	stream.indirect_vreg.gather [hbm4b:s5+s2], $0x80, v3, vm0, $0xb8;
	[tilespmem:$0x18100] =	vst v63  }
0x94: {  	v3 =	vld [tilespmem:$0xA0];
	_ =	sdelay $0x4  }
0x95: {  	v54 =	vshrl.u32 v3, $0x3  }
0x96: {  	v4 =	vmul.u32 $0x30, v54  }
0x97: {  	v3 =	vand.u32 $0x7, v3  }
0x98: {  	v3 =	vor.u32 v3, v4  }
0x99: {  	v4 =	vperm.xlane v3, v0;
	_ =	sdelay $0x1  }
0x9a: {  	v4 =	vadd.s32 v1, v4;
	_ =	sdelay $0x3  }
0x9b: {  	s12 =	simm.s32 $0x12100;
	v3 =	vperm.xlane v3, v2  }
0x9c: {  	[tilespmem:s12], [sflag:$0x2] =	stream.indirect_vreg.gather [hbm4b:s3+s2], $0x80, v4, vm0, $0xb8;
	[tilespmem:$0x18100] =	vst v63  }
0x9d: {  	v3 =	vadd.s32 v1, v3;
	s12 =	simm.s32 $0x12900  }
0x9e: {  	[tilespmem:s12], [sflag:$0x2] =	stream.indirect_vreg.gather [hbm4b:s4+s2], $0x80, v4, vm0, $0xb8;
	[tilespmem:$0x18100] =	vst v63  }
0x9f: {  	s12 =	simm.s32 $0x13100  }
0xa0: {  	[tilespmem:s12], [sflag:$0x2] =	stream.indirect_vreg.gather [hbm4b:s5+s2], $0x80, v4, vm0, $0xb8;
	[tilespmem:$0x18100] =	vst v63  }
0xa1: {  	s12 =	simm.s32 $0x13900  }
0xa2: {  	[tilespmem:s12], [sflag:$0x2] =	stream.indirect_vreg.gather [hbm4b:s3+s2], $0x80, v3, vm0, $0xb8;
	[tilespmem:$0x18100] =	vst v63  }
0xa3: {  	s12 =	simm.s32 $0x14100  }
0xa4: {  	[tilespmem:s12], [sflag:$0x2] =	stream.indirect_vreg.gather [hbm4b:s4+s2], $0x80, v3, vm0, $0xb8;
	[tilespmem:$0x18100] =	vst v63  }
0xa5: {  	s12 =	simm.s32 $0x14900  }
0xa6: {  	[tilespmem:s12], [sflag:$0x2] =	stream.indirect_vreg.gather [hbm4b:s5+s2], $0x80, v3, vm0, $0xb8;
	[tilespmem:$0x18100] =	vst v63  }
0xa7: {  	v3 =	vld [tilespmem:$0xB0];
	_ =	sdelay $0x4  }
0xa8: {  	v55 =	vshrl.u32 v3, $0x3  }
0xa9: {  	v4 =	vmul.u32 $0x30, v55  }
0xaa: {  	v3 =	vand.u32 $0x7, v3  }
0xab: {  	v3 =	vor.u32 v3, v4  }
0xac: {  	v4 =	vperm.xlane v3, v0;
	_ =	sdelay $0x1  }
0xad: {  	v4 =	vadd.s32 v1, v4;
	_ =	sdelay $0x3  }
0xae: {  	s12 =	simm.s32 $0x15100;
	v3 =	vperm.xlane v3, v2  }
0xaf: {  	[tilespmem:s12], [sflag:$0x2] =	stream.indirect_vreg.gather [hbm4b:s3+s2], $0x80, v4, vm0, $0xb8;
	[tilespmem:$0x18100] =	vst v63  }
0xb0: {  	v3 =	vadd.s32 v1, v3;
	s12 =	simm.s32 $0x15900  }
0xb1: {  	[tilespmem:s12], [sflag:$0x2] =	stream.indirect_vreg.gather [hbm4b:s4+s2], $0x80, v4, vm0, $0xb8;
	[tilespmem:$0x18100] =	vst v63  }
0xb2: {  	s12 =	simm.s32 $0x16100  }
0xb3: {  	[tilespmem:s12], [sflag:$0x2] =	stream.indirect_vreg.gather [hbm4b:s5+s2], $0x80, v4, vm0, $0xb8;
	[tilespmem:$0x18100] =	vst v63  }
0xb4: {  	s12 =	simm.s32 $0x16900  }
0xb5: {  	[tilespmem:s12], [sflag:$0x2] =	stream.indirect_vreg.gather [hbm4b:s3+s2], $0x80, v3, vm0, $0xb8;
	[tilespmem:$0x18100] =	vst v63  }
0xb6: {  	s12 =	simm.s32 $0x17100  }
0xb7: {  	[tilespmem:s12], [sflag:$0x2] =	stream.indirect_vreg.gather [hbm4b:s4+s2], $0x80, v3, vm0, $0xb8;
	[tilespmem:$0x18100] =	vst v63  }
0xb8: {  	s12 =	simm.s32 $0x17900  }
0xb9: {  	[tilespmem:s12], [sflag:$0x2] =	stream.indirect_vreg.gather [hbm4b:s5+s2], $0x80, v3, vm0, $0xb8;
	[tilespmem:$0x18100] =	vst v63  }
0xba: {  	_ =	swait.ge [sflag:s8], $0xC000  }
0xbb: {  	[sflag:s8] =	ssyncset.done $0x0  }
0xbc: {  	s10 =	simm.s32 $0x100;
	s12 =	rddreg [dreg:$0x6];
	[sflag:s8] =	ssyncadd.s32 $0xFFFF4000  }
0xbd: {  	[hbm4b:s12+s2] =	stream.linear.scatter [tilespmem:s10], [sflag:$0x3], $0xC000, $0x38;
	[tilespmem:$0x18100] =	vst v63  }
0xbe: {  	_ =	swait.ge [sflag:s7], $0xC000  }
0xbf: {  	[sflag:s7] =	ssyncset.done $0x0  }
0xc0: {  	s12 =	rddreg [dreg:$0x7];
	[sflag:s7] =	ssyncadd.s32 $0xFFFF4000  }
0xc1: {  	[tilespmem:s2], [sflag:$0x3] =	stream.linear.gather [hbm4b:s12+s2], $0x40, $0x38;
	[tilespmem:$0x18100] =	vst v63  }
0xc2: {  	_ =	swait.ge [sflag:s7], $0x40  }
0xc3: {  	[sflag:s7] =	ssyncset.done $0x0  }
0xc4: {  	[sflag:s7] =	ssyncadd.s32 $0xFFFFFFC0  }
0xc5: {  	v3 =	vld [tilespmem:$0x0];
	_ =	sdelay $0x4  }
0xc6: {  	v56 =	vshrl.u32 v3, $0x3  }
0xc7: {  	v4 =	vmul.u32 $0x30, v56  }
0xc8: {  	v3 =	vand.u32 $0x7, v3  }
0xc9: {  	v3 =	vor.u32 v3, v4  }
0xca: {  	v4 =	vperm.xlane v3, v0;
	_ =	sdelay $0x1  }
0xcb: {  	v4 =	vadd.s32 v1, v4;
	_ =	sdelay $0x3  }
0xcc: {  	v3 =	vperm.xlane v3, v2  }
0xcd: {  	[tilespmem:s10], [sflag:$0x1] =	stream.indirect_vreg.gather [hbm4b:s3+s2], $0x80, v4, vm0, $0xb8;
	[tilespmem:$0x18100] =	vst v63  }
0xce: {  	v3 =	vadd.s32 v1, v3  }
0xcf: {  	[tilespmem:s13], [sflag:$0x1] =	stream.indirect_vreg.gather [hbm4b:s4+s2], $0x80, v4, vm0, $0xb8;
	[tilespmem:$0x18100] =	vst v63  }
0xd0: {  	_ = 	snop  }
0xd1: {  	[tilespmem:s14], [sflag:$0x1] =	stream.indirect_vreg.gather [hbm4b:s5+s2], $0x80, v4, vm0, $0xb8;
	[tilespmem:$0x18100] =	vst v63  }
0xd2: {  	_ = 	snop  }
0xd3: {  	[tilespmem:s15], [sflag:$0x1] =	stream.indirect_vreg.gather [hbm4b:s3+s2], $0x80, v3, vm0, $0xb8;
	[tilespmem:$0x18100] =	vst v63  }
0xd4: {  	_ = 	snop  }
0xd5: {  	[tilespmem:s16], [sflag:$0x1] =	stream.indirect_vreg.gather [hbm4b:s4+s2], $0x80, v3, vm0, $0xb8;
	[tilespmem:$0x18100] =	vst v63  }
0xd6: {  	_ = 	snop  }
0xd7: {  	[tilespmem:s17], [sflag:$0x1] =	stream.indirect_vreg.gather [hbm4b:s5+s2], $0x80, v3, vm0, $0xb8;
	[tilespmem:$0x18100] =	vst v63  }
0xd8: {  	v3 =	vld [tilespmem:$0x10];
	_ =	sdelay $0x4  }
0xd9: {  	v57 =	vshrl.u32 v3, $0x3  }
0xda: {  	v4 =	vmul.u32 $0x30, v57  }
0xdb: {  	v3 =	vand.u32 $0x7, v3  }
0xdc: {  	v3 =	vor.u32 v3, v4  }
0xdd: {  	v4 =	vperm.xlane v3, v0;
	_ =	sdelay $0x1  }
0xde: {  	v4 =	vadd.s32 v1, v4;
	_ =	sdelay $0x3  }
0xdf: {  	v3 =	vperm.xlane v3, v2  }
0xe0: {  	[tilespmem:s18], [sflag:$0x1] =	stream.indirect_vreg.gather [hbm4b:s3+s2], $0x80, v4, vm0, $0xb8;
	[tilespmem:$0x18100] =	vst v63  }
0xe1: {  	v3 =	vadd.s32 v1, v3  }
0xe2: {  	[tilespmem:s19], [sflag:$0x1] =	stream.indirect_vreg.gather [hbm4b:s4+s2], $0x80, v4, vm0, $0xb8;
	[tilespmem:$0x18100] =	vst v63  }
0xe3: {  	_ = 	snop  }
0xe4: {  	[tilespmem:s20], [sflag:$0x1] =	stream.indirect_vreg.gather [hbm4b:s5+s2], $0x80, v4, vm0, $0xb8;
	[tilespmem:$0x18100] =	vst v63  }
0xe5: {  	_ = 	snop  }
0xe6: {  	[tilespmem:s21], [sflag:$0x1] =	stream.indirect_vreg.gather [hbm4b:s3+s2], $0x80, v3, vm0, $0xb8;
	[tilespmem:$0x18100] =	vst v63  }
0xe7: {  	_ = 	snop  }
0xe8: {  	[tilespmem:s22], [sflag:$0x1] =	stream.indirect_vreg.gather [hbm4b:s4+s2], $0x80, v3, vm0, $0xb8;
	[tilespmem:$0x18100] =	vst v63  }
0xe9: {  	_ = 	snop  }
0xea: {  	[tilespmem:s23], [sflag:$0x1] =	stream.indirect_vreg.gather [hbm4b:s5+s2], $0x80, v3, vm0, $0xb8;
	[tilespmem:$0x18100] =	vst v63  }
0xeb: {  	v3 =	vld [tilespmem:$0x20];
	_ =	sdelay $0x4  }
0xec: {  	v58 =	vshrl.u32 v3, $0x3  }
0xed: {  	v4 =	vmul.u32 $0x30, v58  }
0xee: {  	v3 =	vand.u32 $0x7, v3  }
0xef: {  	v3 =	vor.u32 v3, v4  }
0xf0: {  	v4 =	vperm.xlane v3, v0;
	_ =	sdelay $0x1  }
0xf1: {  	v4 =	vadd.s32 v1, v4;
	_ =	sdelay $0x3  }
0xf2: {  	v3 =	vperm.xlane v3, v2  }
0xf3: {  	[tilespmem:s24], [sflag:$0x1] =	stream.indirect_vreg.gather [hbm4b:s3+s2], $0x80, v4, vm0, $0xb8;
	[tilespmem:$0x18100] =	vst v63  }
0xf4: {  	v3 =	vadd.s32 v1, v3  }
0xf5: {  	[tilespmem:s25], [sflag:$0x1] =	stream.indirect_vreg.gather [hbm4b:s4+s2], $0x80, v4, vm0, $0xb8;
	[tilespmem:$0x18100] =	vst v63  }
0xf6: {  	_ = 	snop  }
0xf7: {  	[tilespmem:s26], [sflag:$0x1] =	stream.indirect_vreg.gather [hbm4b:s5+s2], $0x80, v4, vm0, $0xb8;
	[tilespmem:$0x18100] =	vst v63  }
0xf8: {  	_ = 	snop  }
0xf9: {  	[tilespmem:s28], [sflag:$0x1] =	stream.indirect_vreg.gather [hbm4b:s3+s2], $0x80, v3, vm0, $0xb8;
	[tilespmem:$0x18100] =	vst v63  }
0xfa: {  	_ = 	snop  }
0xfb: {  	[tilespmem:s29], [sflag:$0x1] =	stream.indirect_vreg.gather [hbm4b:s4+s2], $0x80, v3, vm0, $0xb8;
	[tilespmem:$0x18100] =	vst v63  }
0xfc: {  	_ = 	snop  }
0xfd: {  	[tilespmem:s30], [sflag:$0x1] =	stream.indirect_vreg.gather [hbm4b:s5+s2], $0x80, v3, vm0, $0xb8;
	[tilespmem:$0x18100] =	vst v63  }
0xfe: {  	v3 =	vld [tilespmem:$0x30];
	_ =	sdelay $0x4  }
0xff: {  	v59 =	vshrl.u32 v3, $0x3  }
0x100: {  	v4 =	vmul.u32 $0x30, v59  }
0x101: {  	v3 =	vand.u32 $0x7, v3  }
0x102: {  	v3 =	vor.u32 v3, v4  }
0x103: {  	v4 =	vperm.xlane v3, v0;
	_ =	sdelay $0x1  }
0x104: {  	v4 =	vadd.s32 v1, v4;
	_ =	sdelay $0x3  }
0x105: {  	v3 =	vperm.xlane v3, v2  }
0x106: {  	[tilespmem:s31], [sflag:$0x1] =	stream.indirect_vreg.gather [hbm4b:s3+s2], $0x80, v4, vm0, $0xb8;
	[tilespmem:$0x18100] =	vst v63  }
0x107: {  	s12 =	simm.s32 $0x9900;
	v3 =	vadd.s32 v1, v3  }
0x108: {  	[tilespmem:s12], [sflag:$0x1] =	stream.indirect_vreg.gather [hbm4b:s4+s2], $0x80, v4, vm0, $0xb8;
	[tilespmem:$0x18100] =	vst v63  }
0x109: {  	s12 =	simm.s32 $0xA100  }
0x10a: {  	[tilespmem:s12], [sflag:$0x1] =	stream.indirect_vreg.gather [hbm4b:s5+s2], $0x80, v4, vm0, $0xb8;
	[tilespmem:$0x18100] =	vst v63  }
0x10b: {  	s12 =	simm.s32 $0xA900  }
0x10c: {  	[tilespmem:s12], [sflag:$0x1] =	stream.indirect_vreg.gather [hbm4b:s3+s2], $0x80, v3, vm0, $0xb8;
	[tilespmem:$0x18100] =	vst v63  }
0x10d: {  	_ = 	snop  }
0x10e: {  	[tilespmem:s9], [sflag:$0x1] =	stream.indirect_vreg.gather [hbm4b:s4+s2], $0x80, v3, vm0, $0xb8;
	[tilespmem:$0x18100] =	vst v63  }
0x10f: {  	_ = 	snop  }
0x110: {  	[tilespmem:s1], [sflag:$0x1] =	stream.indirect_vreg.gather [hbm4b:s5+s2], $0x80, v3, vm0, $0xb8;
	[tilespmem:$0x18100] =	vst v63  }
0x111: {  	_ =	swait.ge [sflag:s11], $0xC000  }
0x112: {  	[sflag:s11] =	ssyncset.done $0x0  }
0x113: {  	s10 =	rddreg [dreg:$0x8];
	[sflag:s11] =	ssyncadd.s32 $0xFFFF4000  }
0x114: {  	[hbm4b:s10+s2] =	stream.linear.scatter [tilespmem:s0], [sflag:$0x3], $0xC000, $0x38;
	[tilespmem:$0x18100] =	vst v63  }
0x115: {  	_ =	swait.ge [sflag:s7], $0xC000  }
0x116: {  	[sflag:s7] =	ssyncset.done $0x0  }
0x117: {  	s10 =	simm.s32 $0x80;
	s1 =	rddreg [dreg:$0x9];
	[sflag:s7] =	ssyncadd.s32 $0xFFFF4000  }
0x118: {  	[tilespmem:s10], [sflag:$0x3] =	stream.linear.gather [hbm4b:s1+s2], $0x40, $0x38;
	[tilespmem:$0x18100] =	vst v63  }
0x119: {  	_ =	swait.ge [sflag:s7], $0x40  }
0x11a: {  	[sflag:s7] =	ssyncset.done $0x0  }
0x11b: {  	[sflag:s7] =	ssyncadd.s32 $0xFFFFFFC0  }
0x11c: {  	v3 =	vld [tilespmem:$0x80];
	_ =	sdelay $0x4  }
0x11d: {  	v60 =	vshrl.u32 v3, $0x3  }
0x11e: {  	v4 =	vmul.u32 $0x30, v60  }
0x11f: {  	v3 =	vand.u32 $0x7, v3  }
0x120: {  	v3 =	vor.u32 v3, v4  }
0x121: {  	v4 =	vperm.xlane v3, v0;
	_ =	sdelay $0x1  }
0x122: {  	v4 =	vadd.s32 v1, v4;
	_ =	sdelay $0x3  }
0x123: {  	v3 =	vperm.xlane v3, v2  }
0x124: {  	[tilespmem:s0], [sflag:$0x2] =	stream.indirect_vreg.gather [hbm4b:s3+s2], $0x80, v4, vm0, $0xb8;
	[tilespmem:$0x18100] =	vst v63  }
0x125: {  	s12 =	simm.s32 $0xC900;
	v3 =	vadd.s32 v1, v3  }
0x126: {  	[tilespmem:s12], [sflag:$0x2] =	stream.indirect_vreg.gather [hbm4b:s4+s2], $0x80, v4, vm0, $0xb8;
	[tilespmem:$0x18100] =	vst v63  }
0x127: {  	s10 =	simm.s32 $0xD100  }
0x128: {  	[tilespmem:s10], [sflag:$0x2] =	stream.indirect_vreg.gather [hbm4b:s5+s2], $0x80, v4, vm0, $0xb8;
	[tilespmem:$0x18100] =	vst v63  }
0x129: {  	s12 =	simm.s32 $0xD900  }
0x12a: {  	[tilespmem:s12], [sflag:$0x2] =	stream.indirect_vreg.gather [hbm4b:s3+s2], $0x80, v3, vm0, $0xb8;
	[tilespmem:$0x18100] =	vst v63  }
0x12b: {  	s10 =	simm.s32 $0xE100  }
0x12c: {  	[tilespmem:s10], [sflag:$0x2] =	stream.indirect_vreg.gather [hbm4b:s4+s2], $0x80, v3, vm0, $0xb8;
	[tilespmem:$0x18100] =	vst v63  }
0x12d: {  	s12 =	simm.s32 $0xE900  }
0x12e: {  	[tilespmem:s12], [sflag:$0x2] =	stream.indirect_vreg.gather [hbm4b:s5+s2], $0x80, v3, vm0, $0xb8;
	[tilespmem:$0x18100] =	vst v63  }
0x12f: {  	v3 =	vld [tilespmem:$0x90];
	_ =	sdelay $0x4  }
0x130: {  	v61 =	vshrl.u32 v3, $0x3  }
0x131: {  	v4 =	vmul.u32 $0x30, v61  }
0x132: {  	v3 =	vand.u32 $0x7, v3  }
0x133: {  	v3 =	vor.u32 v3, v4  }
0x134: {  	v4 =	vperm.xlane v3, v0;
	_ =	sdelay $0x1  }
0x135: {  	v4 =	vadd.s32 v1, v4;
	_ =	sdelay $0x3  }
0x136: {  	s10 =	simm.s32 $0xF100;
	v3 =	vperm.xlane v3, v2  }
0x137: {  	[tilespmem:s10], [sflag:$0x2] =	stream.indirect_vreg.gather [hbm4b:s3+s2], $0x80, v4, vm0, $0xb8;
	[tilespmem:$0x18100] =	vst v63  }
0x138: {  	s12 =	simm.s32 $0xF900;
	v3 =	vadd.s32 v1, v3  }
0x139: {  	[tilespmem:s12], [sflag:$0x2] =	stream.indirect_vreg.gather [hbm4b:s4+s2], $0x80, v4, vm0, $0xb8;
	[tilespmem:$0x18100] =	vst v63  }
0x13a: {  	s10 =	simm.s32 $0x10100  }
0x13b: {  	[tilespmem:s10], [sflag:$0x2] =	stream.indirect_vreg.gather [hbm4b:s5+s2], $0x80, v4, vm0, $0xb8;
	[tilespmem:$0x18100] =	vst v63  }
0x13c: {  	s12 =	simm.s32 $0x10900  }
0x13d: {  	[tilespmem:s12], [sflag:$0x2] =	stream.indirect_vreg.gather [hbm4b:s3+s2], $0x80, v3, vm0, $0xb8;
	[tilespmem:$0x18100] =	vst v63  }
0x13e: {  	s10 =	simm.s32 $0x11100  }
0x13f: {  	[tilespmem:s10], [sflag:$0x2] =	stream.indirect_vreg.gather [hbm4b:s4+s2], $0x80, v3, vm0, $0xb8;
	[tilespmem:$0x18100] =	vst v63  }
0x140: {  	s12 =	simm.s32 $0x11900  }
0x141: {  	[tilespmem:s12], [sflag:$0x2] =	stream.indirect_vreg.gather [hbm4b:s5+s2], $0x80, v3, vm0, $0xb8;
	[tilespmem:$0x18100] =	vst v63  }
0x142: {  	v3 =	vld [tilespmem:$0xA0];
	_ =	sdelay $0x4  }
0x143: {  	v62 =	vshrl.u32 v3, $0x3  }
0x144: {  	v4 =	vmul.u32 $0x30, v62  }
0x145: {  	v3 =	vand.u32 $0x7, v3  }
0x146: {  	v3 =	vor.u32 v3, v4  }
0x147: {  	v4 =	vperm.xlane v3, v0;
	_ =	sdelay $0x1  }
0x148: {  	v4 =	vadd.s32 v1, v4;
	_ =	sdelay $0x3  }
0x149: {  	s10 =	simm.s32 $0x12100;
	v3 =	vperm.xlane v3, v2  }
0x14a: {  	[tilespmem:s10], [sflag:$0x2] =	stream.indirect_vreg.gather [hbm4b:s3+s2], $0x80, v4, vm0, $0xb8;
	[tilespmem:$0x18100] =	vst v63  }
0x14b: {  	s12 =	simm.s32 $0x12900;
	v3 =	vadd.s32 v1, v3  }
0x14c: {  	[tilespmem:s12], [sflag:$0x2] =	stream.indirect_vreg.gather [hbm4b:s4+s2], $0x80, v4, vm0, $0xb8;
	[tilespmem:$0x18100] =	vst v63  }
0x14d: {  	s10 =	simm.s32 $0x13100  }
0x14e: {  	[tilespmem:s10], [sflag:$0x2] =	stream.indirect_vreg.gather [hbm4b:s5+s2], $0x80, v4, vm0, $0xb8;
	[tilespmem:$0x18100] =	vst v63  }
0x14f: {  	s12 =	simm.s32 $0x13900  }
0x150: {  	[tilespmem:s12], [sflag:$0x2] =	stream.indirect_vreg.gather [hbm4b:s3+s2], $0x80, v3, vm0, $0xb8;
	[tilespmem:$0x18100] =	vst v63  }
0x151: {  	s10 =	simm.s32 $0x14100  }
0x152: {  	[tilespmem:s10], [sflag:$0x2] =	stream.indirect_vreg.gather [hbm4b:s4+s2], $0x80, v3, vm0, $0xb8;
	[tilespmem:$0x18100] =	vst v63  }
0x153: {  	s12 =	simm.s32 $0x14900  }
0x154: {  	[tilespmem:s12], [sflag:$0x2] =	stream.indirect_vreg.gather [hbm4b:s5+s2], $0x80, v3, vm0, $0xb8;
	[tilespmem:$0x18100] =	vst v63  }
0x155: {  	v3 =	vld [tilespmem:$0xB0];
	_ =	sdelay $0x4  }
0x156: {  	v63 =	vshrl.u32 v3, $0x3  }
0x157: {  	v4 =	vmul.u32 $0x30, v63  }
0x158: {  	v3 =	vand.u32 $0x7, v3  }
0x159: {  	v3 =	vor.u32 v3, v4  }
0x15a: {  	v4 =	vperm.xlane v3, v0;
	_ =	sdelay $0x1  }
0x15b: {  	v4 =	vadd.s32 v1, v4;
	_ =	sdelay $0x3  }
0x15c: {  	s10 =	simm.s32 $0x15100;
	v3 =	vperm.xlane v3, v2  }
0x15d: {  	[tilespmem:s10], [sflag:$0x2] =	stream.indirect_vreg.gather [hbm4b:s3+s2], $0x80, v4, vm0, $0xb8;
	[tilespmem:$0x18100] =	vst v63  }
0x15e: {  	s12 =	simm.s32 $0x15900;
	v3 =	vadd.s32 v1, v3  }
0x15f: {  	[tilespmem:s12], [sflag:$0x2] =	stream.indirect_vreg.gather [hbm4b:s4+s2], $0x80, v4, vm0, $0xb8;
	[tilespmem:$0x18100] =	vst v63  }
0x160: {  	s10 =	simm.s32 $0x16100  }
0x161: {  	[tilespmem:s10], [sflag:$0x2] =	stream.indirect_vreg.gather [hbm4b:s5+s2], $0x80, v4, vm0, $0xb8;
	[tilespmem:$0x18100] =	vst v63  }
0x162: {  	s12 =	simm.s32 $0x16900  }
0x163: {  	[tilespmem:s12], [sflag:$0x2] =	stream.indirect_vreg.gather [hbm4b:s3+s2], $0x80, v3, vm0, $0xb8;
	[tilespmem:$0x18100] =	vst v63  }
0x164: {  	s10 =	simm.s32 $0x17100  }
0x165: {  	[tilespmem:s10], [sflag:$0x2] =	stream.indirect_vreg.gather [hbm4b:s4+s2], $0x80, v3, vm0, $0xb8;
	[tilespmem:$0x18100] =	vst v63  }
0x166: {  	s12 =	simm.s32 $0x17900  }
0x167: {  	[tilespmem:s12], [sflag:$0x2] =	stream.indirect_vreg.gather [hbm4b:s5+s2], $0x80, v3, vm0, $0xb8;
	[tilespmem:$0x18100] =	vst v63  }
0x168: {  	_ =	swait.ge [sflag:s8], $0xC000  }
0x169: {  	[sflag:s8] =	ssyncset.done $0x0  }
0x16a: {  	s10 =	simm.s32 $0x100;
	s1 =	rddreg [dreg:$0xa];
	[sflag:s8] =	ssyncadd.s32 $0xFFFF4000  }
0x16b: {  	[hbm4b:s1+s2] =	stream.linear.scatter [tilespmem:s10], [sflag:$0x3], $0xC000, $0x38;
	[tilespmem:$0x18100] =	vst v63  }
0x16c: {  	_ =	swait.ge [sflag:s7], $0xC000  }
0x16d: {  	[sflag:s7] =	ssyncset.done $0x0  }
0x16e: {  	[sflag:s7] =	ssyncadd.s32 $0xFFFF4000  }
0x16f: {  	_ =	swait.ge [sflag:s11], $0xC000  }
0x170: {  	p0 =	sne.s32 s6, $0x1;
	[sflag:s11] =	ssyncset.done $0x0  }
.Ltmp0:
0x171: {  	s10 =	rddreg [dreg:$0xb];
	[sflag:s11] =	ssyncadd.s32 $0xFFFF4000;
	(pc) =	sbr.rel @p0 .LBB2_1-.Ltmp0, $4  }
0x172: {  	[hbm4b:s10+s2] =	stream.linear.scatter [tilespmem:s0], [sflag:$0x3], $0xC000, $0x38;
	[tilespmem:$0x18100] =	vst v63  }
0x173: {  	_ =	swait.ge [sflag:s7], $0xC000  }
0x174: {  	[sflag:s7] =	ssyncset.done $0x0  }
0x175: {  	s6 =	sadd.s32 $0xFFFFFFFF, s6;
	[sflag:s7] =	ssyncadd.s32 $0xFFFF4000  }
0x176: {  	_ =	sfence.sel $0x180000  }
0x177: {  	[bflag:$0x0] =	sbarrier.arrive $0xFFFF  }
0x178: {  	_ =	strace $0x90000047  }
0x179: {  	s0 =	stileid.u32;
	[bflag:$0x2] =	sbarrier.arrive $0xFFFF  }
0x17a: {  	p0 =	sne.s32 s0, $0x0;
	s0 =	rddreg [dreg:$0x3]  }
0x17b: {  	s0 =	sadd.s32 @!p0 $0x100000, s0  }
0x17c: {  	[sflag:s0] =	ssyncadd.tile.s32 @!p0 $0x1;
	_ =	shalt  }
.Lfunc_end2:
_tile_overlayer_lowered:
.L_overlay_start_2:
0x17d: {  	(tag) =	ssettag $0x2  }
0x17e: {  	s0 =	rddreg [dreg:$0x0];
	s2 =	stileid.u32  }
0x17f: {  	s1 =	rddreg [dreg:$0x1];
	p0 =	sne.s32 s2, $0x0  }
0x180: {  	s3 =	rddreg [dreg:$0x2];
	[bflag:$0x3] =	sbarrier.arrive $0xFFFF;
	s2 =	simm.s32 @!p0 $0x1C03  }
0x181: {  	[timem:s3], [sflag:s2] =	dma.local @!p0 [hbm:s0], s1  }
0x182: {  	s0 =	simm.s32 @!p0 $0x3  }
0x183: {  	_ =	swait.ge @!p0 [sflag:s0], s1  }
0x184: {  	s1 =	ssub.s32 @!p0 $0x0, s1;
	[sflag:s0] =	ssyncset.done @!p0 $0x0  }
0x185: {  	[sflag:s0] =	ssyncadd.s32 @!p0 s1  }
0x186: {  	[bflag:$0x3] =	sbarrier.arrive $0xFFFF  }
0x187: {  	_ =	shalt  }

</sc_bundles>
